<compile_context>
chip_gen: v7x
topology: tpu7x:2x2x1
jax: 0.10.2.dev20260603
libtpu: 0.0.44.dev20260713+nightly
codegen_flags: <defaults>
</compile_context>

<pallas_src>
import jax
import jax.numpy as jnp
from jax import lax
from jax.experimental import pallas as pl
from jax.experimental.pallas import tpu as pltpu
from jax.experimental.pallas import tpu_sc as plsc

NUM_CLASSES = 1000
FEAT_DIM = 128
BATCH = 16384
ALPHA = 0.99

PAD_CLASSES = 1024
NC = 2
NS = 16
NWT = NC * NS
ROWS_PER_W = BATCH // NWT
CHUNK = 128
NCHUNK = ROWS_PER_W // CHUNK
CLS_PER_S = PAD_CLASSES // NS
LANES = 16
VL = FEAT_DIM // LANES


def _scatter_body(feat_hbm, lbl_hbm, zeros_hbm, ones_hbm, psum_hbm, pcnt_hbm,
                  lbl_v, feat_v, ones_v,
                  shared_acc, shared_cnt,
                  sem0, sem1, sem2, sem3, sem4, sem5, sem6, sem_sc):
    cid = lax.axis_index("c")
    sid = lax.axis_index("s")
    wid = cid * NS + sid
    cls_base = sid * CLS_PER_S

    lbl_cp = pltpu.async_copy(lbl_hbm.at[wid], lbl_v, sem4)
    ones_cp = pltpu.async_copy(ones_hbm, ones_v, sem5)
    z1 = pltpu.async_copy(zeros_hbm,
                          shared_acc.at[pl.ds(cls_base, CLS_PER_S)], sem6)
    z2 = pltpu.async_copy(zeros_hbm,
                          shared_cnt.at[pl.ds(cls_base, CLS_PER_S)], sem_sc)
    in_sems = [sem0, sem1, sem2, sem3]
    copies = []
    for j in range(NCHUNK):
        copies.append(pltpu.async_copy(
            feat_hbm.at[pl.ds(wid * ROWS_PER_W + j * CHUNK, CHUNK)],
            feat_v.at[j], in_sems[j]))

    z1.wait()
    z2.wait()
    plsc.subcore_barrier()

    lbl_cp.wait()
    ones_cp.wait()
    scatters = []
    for j in range(NCHUNK):
        scatters.append(pltpu.async_copy(
            ones_v, shared_cnt.at[lbl_v.at[j]], sem_sc, add=True))
    for j in range(NCHUNK):
        copies[j].wait()
        scatters.append(pltpu.async_copy(
            feat_v.at[j], shared_acc.at[lbl_v.at[j]], sem_sc, add=True))
    for d in scatters:
        d.wait()
    plsc.subcore_barrier()

    w1 = pltpu.async_copy(shared_acc.at[pl.ds(cls_base, CLS_PER_S)],
                          psum_hbm.at[cid, pl.ds(cls_base, CLS_PER_S)], sem0)
    w2 = pltpu.async_copy(shared_cnt.at[pl.ds(cls_base, CLS_PER_S)],
                          pcnt_hbm.at[cid, pl.ds(cls_base, CLS_PER_S)], sem1)
    w1.wait()
    w2.wait()


def _ema_body(psum_ref, pcnt_ref, proto_ref, out_ref):
    s = psum_ref[0, :NUM_CLASSES, :] + psum_ref[1, :NUM_CLASSES, :]
    c16 = pcnt_ref[0, :NUM_CLASSES, :] + pcnt_ref[1, :NUM_CLASSES, :]
    c = jnp.broadcast_to(c16[:, 0:1], (NUM_CLASSES, FEAT_DIM))
    p = proto_ref[...]
    mean = s / jnp.maximum(c, 1.0)
    out_ref[...] = jnp.where(c > 0.0, ALPHA * p + (1.0 - ALPHA) * mean, p)


@jax.jit
def _run(features, labels3, prototypes):
    mesh = plsc.VectorSubcoreMesh(
        core_axis_name="c", subcore_axis_name="s", num_cores=NC,
        num_subcores=NS)
    psum, pcnt = pl.kernel(
        _scatter_body,
        out_type=(
            jax.ShapeDtypeStruct((NC, PAD_CLASSES, FEAT_DIM), jnp.float32),
            jax.ShapeDtypeStruct((NC, PAD_CLASSES, FEAT_DIM), jnp.float32)),
        mesh=mesh,
        scratch_types=[
            pltpu.VMEM((NCHUNK, CHUNK), jnp.int32),
            pltpu.VMEM((NCHUNK, CHUNK, FEAT_DIM), jnp.float32),
            pltpu.VMEM((CHUNK, FEAT_DIM), jnp.float32),
            pltpu.VMEM_SHARED((PAD_CLASSES, FEAT_DIM), jnp.float32),
            pltpu.VMEM_SHARED((PAD_CLASSES, FEAT_DIM), jnp.float32),
            pltpu.SemaphoreType.DMA,
            pltpu.SemaphoreType.DMA,
            pltpu.SemaphoreType.DMA,
            pltpu.SemaphoreType.DMA,
            pltpu.SemaphoreType.DMA,
            pltpu.SemaphoreType.DMA,
            pltpu.SemaphoreType.DMA,
            pltpu.SemaphoreType.DMA,
        ],
    )(features, labels3,
      jnp.zeros((CLS_PER_S, FEAT_DIM), jnp.float32),
      jnp.ones((CHUNK, FEAT_DIM), jnp.float32))

    out = pl.pallas_call(
        _ema_body,
        out_shape=jax.ShapeDtypeStruct((NUM_CLASSES, FEAT_DIM), jnp.float32),
    )(psum, pcnt, prototypes)
    return out


def kernel(features, labels, prototypes):
    labels3 = labels.astype(jnp.int32).reshape(NWT, NCHUNK, CHUNK)
    return _run(features, labels3, prototypes)

# --- scband reference (transcript-rebuilt; emitter-appended) ---
"""Pipeline reference for scband-prototype-memory-54898271977754 (READ-ONLY COPY).

The authoritative reference and input builder live on the scoring server;
editing this copy changes nothing except your own understanding.
"""

import jax, jax.numpy as jnp
import numpy as np

NUM_CLASSES = 1000
FEAT_DIM = 128
BATCH = 16384
ALPHA = 0.99


def setup_inputs(seed: int = 0) -> dict:
    key = jax.random.key(seed)
    k1, k2 = jax.random.split(key)
    features = jax.random.normal(k1, (BATCH, FEAT_DIM), dtype=jnp.float32)
    labels = jax.random.randint(k2, (BATCH,), 0, NUM_CLASSES, dtype=jnp.int64)
    # buffer 'prototypes' initialized to zeros as in the torch module
    prototypes = jnp.zeros((NUM_CLASSES, FEAT_DIM), dtype=jnp.float32)
    return {"features": features, "labels": labels, "prototypes": prototypes}


def reference(features, labels, prototypes):
    num_classes = prototypes.shape[0]
    # valid_mask = (labels >= 0) & (labels < num_classes)
    valid = (labels >= 0) & (labels < num_classes)
    w = valid.astype(features.dtype)
    safe_labels = jnp.where(valid, labels, 0)
    # per-class mean of valid features (vectorized form of the torch unique-label loop)
    sums = jax.ops.segment_sum(features * w[:, None], safe_labels, num_segments=num_classes)
    counts = jax.ops.segment_sum(w, safe_labels, num_segments=num_classes)
    present = counts > 0
    new_proto = sums / jnp.maximum(counts, 1.0)[:, None]
    # EMA update only for classes present in the batch; others untouched
    updated = jnp.where(present[:, None], ALPHA * prototypes + (1.0 - ALPHA) * new_proto, prototypes)
    return updated

if __name__ == "__main__":
    import jax
    _d = setup_inputs()
    print(jax.jit(kernel)(*tuple(_d.values())))

</pallas_src>

<mosaic_0001>
#map = affine_map<(d0, d1) -> (0, 0)>
#map1 = affine_map<(d0, d1) -> (0, 0, 0)>
module attributes {stable_mosaic.version = 14 : i64} {
  func.func @_scatter_body(%arg0: i32, %arg1: i32, %arg2: memref<16384x128xf32, #tpu.memory_space<hbm>>, %arg3: memref<32x4x128xi32, #tpu.memory_space<hbm>>, %arg4: memref<64x128xf32, #tpu.memory_space<hbm>>, %arg5: memref<128x128xf32, #tpu.memory_space<hbm>>, %arg6: memref<2x1024x128xf32, #tpu.memory_space<hbm>>, %arg7: memref<2x1024x128xf32, #tpu.memory_space<hbm>>, %arg8: memref<4x128xi32, #tpu.memory_space<vmem>>, %arg9: memref<4x128x128xf32, #tpu.memory_space<vmem>>, %arg10: memref<128x128xf32, #tpu.memory_space<vmem>>, %arg11: memref<1024x128xf32, #tpu.memory_space<vmem_shared>>, %arg12: memref<1024x128xf32, #tpu.memory_space<vmem_shared>>, %arg13: memref<!tpu.dma_semaphore, #tpu.memory_space<semaphore_mem>>, %arg14: memref<!tpu.dma_semaphore, #tpu.memory_space<semaphore_mem>>, %arg15: memref<!tpu.dma_semaphore, #tpu.memory_space<semaphore_mem>>, %arg16: memref<!tpu.dma_semaphore, #tpu.memory_space<semaphore_mem>>, %arg17: memref<!tpu.dma_semaphore, #tpu.memory_space<semaphore_mem>>, %arg18: memref<!tpu.dma_semaphore, #tpu.memory_space<semaphore_mem>>, %arg19: memref<!tpu.dma_semaphore, #tpu.memory_space<semaphore_mem>>, %arg20: memref<!tpu.dma_semaphore, #tpu.memory_space<semaphore_mem>>) attributes {dimension_semantics = [#tpu.dimension_semantics<core_parallel>, #tpu.dimension_semantics<subcore_parallel>], iteration_bounds = array<i64: 2, 16>, scalar_prefetch = 0 : i64, scratch_operands = 13 : i64, tpu.core_type = #tpu.core_type<sc_vector_subcore>, window_params = [{transform_indices = #map}, {transform_indices = #map1}, {transform_indices = #map}, {transform_indices = #map}, {transform_indices = #map1}, {transform_indices = #map1}]} {
    %mul3A = arith.constant 16 : i32
    %mul3A_0 = arith.muli %arg0, %mul3A : i32
    %add3A = arith.addi %mul3A_0, %arg1 : i32
    %mul3A_1 = arith.constant 64 : i32
    %mul3A_2 = arith.muli %arg1, %mul3A_1 : i32
    %dma_start3A = arith.constant 0 : i32
    %dma_start3A_3 = arith.constant 0 : i32
    %dma_start3A_4 = tpu.memref_slice %arg3[%add3A, %dma_start3A, %dma_start3A_3] : memref<32x4x128xi32, #tpu.memory_space<hbm>> -> memref<1x4x128xi32, #tpu.memory_space<hbm>>
    %dma_start3A_5 = tpu.memref_squeeze %dma_start3A_4 : memref<1x4x128xi32, #tpu.memory_space<hbm>> -> memref<4x128xi32, #tpu.memory_space<hbm>>
    %dma_start3A_6 = arith.constant 0 : i32
    %dma_start3A_7 = arith.constant 0 : i32
    %dma_start3A_8 = tpu.memref_slice %arg3[%add3A, %dma_start3A_6, %dma_start3A_7] : memref<32x4x128xi32, #tpu.memory_space<hbm>> -> memref<1x4x128xi32, #tpu.memory_space<hbm>>
    %dma_start3A_9 = tpu.memref_squeeze %dma_start3A_8 : memref<1x4x128xi32, #tpu.memory_space<hbm>> -> memref<4x128xi32, #tpu.memory_space<hbm>>
    tpu.enqueue_dma source(%dma_start3A_9 : memref<4x128xi32, #tpu.memory_space<hbm>>) target(%arg8 : memref<4x128xi32, #tpu.memory_space<vmem>>) target_semaphore(%arg17 : memref<!tpu.dma_semaphore, #tpu.memory_space<semaphore_mem>>)
    tpu.enqueue_dma source(%arg5 : memref<128x128xf32, #tpu.memory_space<hbm>>) target(%arg10 : memref<128x128xf32, #tpu.memory_space<vmem>>) target_semaphore(%arg18 : memref<!tpu.dma_semaphore, #tpu.memory_space<semaphore_mem>>)
    %dma_start3A_10 = arith.constant 0 : i32
    %dma_start3A_11 = tpu.memref_slice %arg11[%mul3A_2, %dma_start3A_10] : memref<1024x128xf32, #tpu.memory_space<vmem_shared>> -> memref<64x128xf32, #tpu.memory_space<vmem_shared>>
    tpu.enqueue_dma source(%arg4 : memref<64x128xf32, #tpu.memory_space<hbm>>) target(%dma_start3A_11 : memref<64x128xf32, #tpu.memory_space<vmem_shared>>) target_semaphore(%arg19 : memref<!tpu.dma_semaphore, #tpu.memory_space<semaphore_mem>>)
    %dma_start3A_12 = arith.constant 0 : i32
    %dma_start3A_13 = tpu.memref_slice %arg12[%mul3A_2, %dma_start3A_12] : memref<1024x128xf32, #tpu.memory_space<vmem_shared>> -> memref<64x128xf32, #tpu.memory_space<vmem_shared>>
    tpu.enqueue_dma source(%arg4 : memref<64x128xf32, #tpu.memory_space<hbm>>) target(%dma_start3A_13 : memref<64x128xf32, #tpu.memory_space<vmem_shared>>) target_semaphore(%arg20 : memref<!tpu.dma_semaphore, #tpu.memory_space<semaphore_mem>>)
    %mul3A_14 = arith.constant 512 : i32
    %mul3A_15 = arith.muli %add3A, %mul3A_14 : i32
    %add3A_16 = arith.constant 0 : i32
    %add3A_17 = arith.addi %mul3A_15, %add3A_16 : i32
    %dma_start3A_18 = arith.constant 0 : i32
    %dma_start3A_19 = arith.constant 0 : i32
    %dma_start3A_20 = arith.constant 0 : i32
    %dma_start3A_21 = tpu.memref_slice %arg9[%dma_start3A_18, %dma_start3A_19, %dma_start3A_20] : memref<4x128x128xf32, #tpu.memory_space<vmem>> -> memref<1x128x128xf32, #tpu.memory_space<vmem>>
    %dma_start3A_22 = tpu.memref_squeeze %dma_start3A_21 : memref<1x128x128xf32, #tpu.memory_space<vmem>> -> memref<128x128xf32, #tpu.memory_space<vmem>>
    %dma_start3A_23 = arith.constant 0 : i32
    %dma_start3A_24 = tpu.memref_slice %arg2[%add3A_17, %dma_start3A_23] : memref<16384x128xf32, #tpu.memory_space<hbm>> -> memref<128x128xf32, #tpu.memory_space<hbm>>
    %dma_start3A_25 = arith.constant 0 : i32
    %dma_start3A_26 = arith.constant 0 : i32
    %dma_start3A_27 = tpu.memref_slice %arg9[%dma_start3A_18, %dma_start3A_25, %dma_start3A_26] : memref<4x128x128xf32, #tpu.memory_space<vmem>> -> memref<1x128x128xf32, #tpu.memory_space<vmem>>
    %dma_start3A_28 = tpu.memref_squeeze %dma_start3A_27 : memref<1x128x128xf32, #tpu.memory_space<vmem>> -> memref<128x128xf32, #tpu.memory_space<vmem>>
    %dma_start3A_29 = arith.constant 0 : i32
    %dma_start3A_30 = tpu.memref_slice %arg2[%add3A_17, %dma_start3A_29] : memref<16384x128xf32, #tpu.memory_space<hbm>> -> memref<128x128xf32, #tpu.memory_space<hbm>>
    tpu.enqueue_dma source(%dma_start3A_30 : memref<128x128xf32, #tpu.memory_space<hbm>>) target(%dma_start3A_28 : memref<128x128xf32, #tpu.memory_space<vmem>>) target_semaphore(%arg13 : memref<!tpu.dma_semaphore, #tpu.memory_space<semaphore_mem>>)
    %mul3A_31 = arith.constant 512 : i32
    %mul3A_32 = arith.muli %add3A, %mul3A_31 : i32
    %add3A_33 = arith.constant 128 : i32
    %add3A_34 = arith.addi %mul3A_32, %add3A_33 : i32
    %dma_start3A_35 = arith.constant 1 : i32
    %dma_start3A_36 = arith.constant 0 : i32
    %dma_start3A_37 = arith.constant 0 : i32
    %dma_start3A_38 = tpu.memref_slice %arg9[%dma_start3A_35, %dma_start3A_36, %dma_start3A_37] : memref<4x128x128xf32, #tpu.memory_space<vmem>> -> memref<1x128x128xf32, #tpu.memory_space<vmem>>
    %dma_start3A_39 = tpu.memref_squeeze %dma_start3A_38 : memref<1x128x128xf32, #tpu.memory_space<vmem>> -> memref<128x128xf32, #tpu.memory_space<vmem>>
    %dma_start3A_40 = arith.constant 0 : i32
    %dma_start3A_41 = tpu.memref_slice %arg2[%add3A_34, %dma_start3A_40] : memref<16384x128xf32, #tpu.memory_space<hbm>> -> memref<128x128xf32, #tpu.memory_space<hbm>>
    %dma_start3A_42 = arith.constant 0 : i32
    %dma_start3A_43 = arith.constant 0 : i32
    %dma_start3A_44 = tpu.memref_slice %arg9[%dma_start3A_35, %dma_start3A_42, %dma_start3A_43] : memref<4x128x128xf32, #tpu.memory_space<vmem>> -> memref<1x128x128xf32, #tpu.memory_space<vmem>>
    %dma_start3A_45 = tpu.memref_squeeze %dma_start3A_44 : memref<1x128x128xf32, #tpu.memory_space<vmem>> -> memref<128x128xf32, #tpu.memory_space<vmem>>
    %dma_start3A_46 = arith.constant 0 : i32
    %dma_start3A_47 = tpu.memref_slice %arg2[%add3A_34, %dma_start3A_46] : memref<16384x128xf32, #tpu.memory_space<hbm>> -> memref<128x128xf32, #tpu.memory_space<hbm>>
    tpu.enqueue_dma source(%dma_start3A_47 : memref<128x128xf32, #tpu.memory_space<hbm>>) target(%dma_start3A_45 : memref<128x128xf32, #tpu.memory_space<vmem>>) target_semaphore(%arg14 : memref<!tpu.dma_semaphore, #tpu.memory_space<semaphore_mem>>)
    %mul3A_48 = arith.constant 512 : i32
    %mul3A_49 = arith.muli %add3A, %mul3A_48 : i32
    %add3A_50 = arith.constant 256 : i32
    %add3A_51 = arith.addi %mul3A_49, %add3A_50 : i32
    %dma_start3A_52 = arith.constant 2 : i32
    %dma_start3A_53 = arith.constant 0 : i32
    %dma_start3A_54 = arith.constant 0 : i32
    %dma_start3A_55 = tpu.memref_slice %arg9[%dma_start3A_52, %dma_start3A_53, %dma_start3A_54] : memref<4x128x128xf32, #tpu.memory_space<vmem>> -> memref<1x128x128xf32, #tpu.memory_space<vmem>>
    %dma_start3A_56 = tpu.memref_squeeze %dma_start3A_55 : memref<1x128x128xf32, #tpu.memory_space<vmem>> -> memref<128x128xf32, #tpu.memory_space<vmem>>
    %dma_start3A_57 = arith.constant 0 : i32
    %dma_start3A_58 = tpu.memref_slice %arg2[%add3A_51, %dma_start3A_57] : memref<16384x128xf32, #tpu.memory_space<hbm>> -> memref<128x128xf32, #tpu.memory_space<hbm>>
    %dma_start3A_59 = arith.constant 0 : i32
    %dma_start3A_60 = arith.constant 0 : i32
    %dma_start3A_61 = tpu.memref_slice %arg9[%dma_start3A_52, %dma_start3A_59, %dma_start3A_60] : memref<4x128x128xf32, #tpu.memory_space<vmem>> -> memref<1x128x128xf32, #tpu.memory_space<vmem>>
    %dma_start3A_62 = tpu.memref_squeeze %dma_start3A_61 : memref<1x128x128xf32, #tpu.memory_space<vmem>> -> memref<128x128xf32, #tpu.memory_space<vmem>>
    %dma_start3A_63 = arith.constant 0 : i32
    %dma_start3A_64 = tpu.memref_slice %arg2[%add3A_51, %dma_start3A_63] : memref<16384x128xf32, #tpu.memory_space<hbm>> -> memref<128x128xf32, #tpu.memory_space<hbm>>
    tpu.enqueue_dma source(%dma_start3A_64 : memref<128x128xf32, #tpu.memory_space<hbm>>) target(%dma_start3A_62 : memref<128x128xf32, #tpu.memory_space<vmem>>) target_semaphore(%arg15 : memref<!tpu.dma_semaphore, #tpu.memory_space<semaphore_mem>>)
    %mul3A_65 = arith.constant 512 : i32
    %mul3A_66 = arith.muli %add3A, %mul3A_65 : i32
    %add3A_67 = arith.constant 384 : i32
    %add3A_68 = arith.addi %mul3A_66, %add3A_67 : i32
    %dma_start3A_69 = arith.constant 3 : i32
    %dma_start3A_70 = arith.constant 0 : i32
    %dma_start3A_71 = arith.constant 0 : i32
    %dma_start3A_72 = tpu.memref_slice %arg9[%dma_start3A_69, %dma_start3A_70, %dma_start3A_71] : memref<4x128x128xf32, #tpu.memory_space<vmem>> -> memref<1x128x128xf32, #tpu.memory_space<vmem>>
    %dma_start3A_73 = tpu.memref_squeeze %dma_start3A_72 : memref<1x128x128xf32, #tpu.memory_space<vmem>> -> memref<128x128xf32, #tpu.memory_space<vmem>>
    %dma_start3A_74 = arith.constant 0 : i32
    %dma_start3A_75 = tpu.memref_slice %arg2[%add3A_68, %dma_start3A_74] : memref<16384x128xf32, #tpu.memory_space<hbm>> -> memref<128x128xf32, #tpu.memory_space<hbm>>
    %dma_start3A_76 = arith.constant 0 : i32
    %dma_start3A_77 = arith.constant 0 : i32
    %dma_start3A_78 = tpu.memref_slice %arg9[%dma_start3A_69, %dma_start3A_76, %dma_start3A_77] : memref<4x128x128xf32, #tpu.memory_space<vmem>> -> memref<1x128x128xf32, #tpu.memory_space<vmem>>
    %dma_start3A_79 = tpu.memref_squeeze %dma_start3A_78 : memref<1x128x128xf32, #tpu.memory_space<vmem>> -> memref<128x128xf32, #tpu.memory_space<vmem>>
    %dma_start3A_80 = arith.constant 0 : i32
    %dma_start3A_81 = tpu.memref_slice %arg2[%add3A_68, %dma_start3A_80] : memref<16384x128xf32, #tpu.memory_space<hbm>> -> memref<128x128xf32, #tpu.memory_space<hbm>>
    tpu.enqueue_dma source(%dma_start3A_81 : memref<128x128xf32, #tpu.memory_space<hbm>>) target(%dma_start3A_79 : memref<128x128xf32, #tpu.memory_space<vmem>>) target_semaphore(%arg16 : memref<!tpu.dma_semaphore, #tpu.memory_space<semaphore_mem>>)
    %dma_wait3A = arith.constant 0 : i32
    %dma_wait3A_82 = tpu.memref_slice %arg11[%mul3A_2, %dma_wait3A] : memref<1024x128xf32, #tpu.memory_space<vmem_shared>> -> memref<64x128xf32, #tpu.memory_space<vmem_shared>>
    tpu.wait_dma2 semaphore(%arg19 : memref<!tpu.dma_semaphore, #tpu.memory_space<semaphore_mem>>) src(%arg4 : memref<64x128xf32, #tpu.memory_space<hbm>>) dst(%dma_wait3A_82 : memref<64x128xf32, #tpu.memory_space<vmem_shared>>)
    %dma_wait3A_83 = arith.constant 0 : i32
    %dma_wait3A_84 = tpu.memref_slice %arg12[%mul3A_2, %dma_wait3A_83] : memref<1024x128xf32, #tpu.memory_space<vmem_shared>> -> memref<64x128xf32, #tpu.memory_space<vmem_shared>>
    tpu.wait_dma2 semaphore(%arg20 : memref<!tpu.dma_semaphore, #tpu.memory_space<semaphore_mem>>) src(%arg4 : memref<64x128xf32, #tpu.memory_space<hbm>>) dst(%dma_wait3A_84 : memref<64x128xf32, #tpu.memory_space<vmem_shared>>)
    %barrier3A = arith.constant 0 : index
    tpu.barrier barrier_id(%barrier3A)
    %dma_wait3A_85 = arith.constant 0 : i32
    %dma_wait3A_86 = arith.constant 0 : i32
    %dma_wait3A_87 = tpu.memref_slice %arg3[%add3A, %dma_wait3A_85, %dma_wait3A_86] : memref<32x4x128xi32, #tpu.memory_space<hbm>> -> memref<1x4x128xi32, #tpu.memory_space<hbm>>
    %dma_wait3A_88 = tpu.memref_squeeze %dma_wait3A_87 : memref<1x4x128xi32, #tpu.memory_space<hbm>> -> memref<4x128xi32, #tpu.memory_space<hbm>>
    %dma_wait3A_89 = arith.constant 0 : i32
    %dma_wait3A_90 = arith.constant 0 : i32
    %dma_wait3A_91 = tpu.memref_slice %arg3[%add3A, %dma_wait3A_89, %dma_wait3A_90] : memref<32x4x128xi32, #tpu.memory_space<hbm>> -> memref<1x4x128xi32, #tpu.memory_space<hbm>>
    %dma_wait3A_92 = tpu.memref_squeeze %dma_wait3A_91 : memref<1x4x128xi32, #tpu.memory_space<hbm>> -> memref<4x128xi32, #tpu.memory_space<hbm>>
    tpu.wait_dma2 semaphore(%arg17 : memref<!tpu.dma_semaphore, #tpu.memory_space<semaphore_mem>>) src(%dma_wait3A_92 : memref<4x128xi32, #tpu.memory_space<hbm>>) dst(%arg8 : memref<4x128xi32, #tpu.memory_space<vmem>>)
    tpu.wait_dma2 semaphore(%arg18 : memref<!tpu.dma_semaphore, #tpu.memory_space<semaphore_mem>>) src(%arg5 : memref<128x128xf32, #tpu.memory_space<hbm>>) dst(%arg10 : memref<128x128xf32, #tpu.memory_space<vmem>>)
    %dma_start3A_93 = arith.constant 0 : i32
    %dma_start3A_94 = arith.constant 0 : i32
    %dma_start3A_95 = tpu.memref_slice %arg8[%dma_start3A_93, %dma_start3A_94] : memref<4x128xi32, #tpu.memory_space<vmem>> -> memref<1x128xi32, #tpu.memory_space<vmem>>
    %dma_start3A_96 = tpu.memref_squeeze %dma_start3A_95 : memref<1x128xi32, #tpu.memory_space<vmem>> -> memref<128xi32, #tpu.memory_space<vmem>>
    %dma_start3A_97 = arith.constant 0 : i32
    %dma_start3A_98 = arith.constant 0 : i32
    %dma_start3A_99 = tpu.memref_slice %arg12[%dma_start3A_97, %dma_start3A_98] : memref<1024x128xf32, #tpu.memory_space<vmem_shared>> -> memref<1024x128xf32, #tpu.memory_space<vmem_shared>>
    tpu.enqueue_indirect_dma source(%arg10 : memref<128x128xf32, #tpu.memory_space<vmem>>) target(%dma_start3A_99 : memref<1024x128xf32, #tpu.memory_space<vmem_shared>>) offsets(%dma_start3A_96 : memref<128xi32, #tpu.memory_space<vmem>>) semaphore(%arg20 : memref<!tpu.dma_semaphore, #tpu.memory_space<semaphore_mem>>) {add = true}
    %dma_start3A_100 = arith.constant 1 : i32
    %dma_start3A_101 = arith.constant 0 : i32
    %dma_start3A_102 = tpu.memref_slice %arg8[%dma_start3A_100, %dma_start3A_101] : memref<4x128xi32, #tpu.memory_space<vmem>> -> memref<1x128xi32, #tpu.memory_space<vmem>>
    %dma_start3A_103 = tpu.memref_squeeze %dma_start3A_102 : memref<1x128xi32, #tpu.memory_space<vmem>> -> memref<128xi32, #tpu.memory_space<vmem>>
    %dma_start3A_104 = arith.constant 0 : i32
    %dma_start3A_105 = arith.constant 0 : i32
    %dma_start3A_106 = tpu.memref_slice %arg12[%dma_start3A_104, %dma_start3A_105] : memref<1024x128xf32, #tpu.memory_space<vmem_shared>> -> memref<1024x128xf32, #tpu.memory_space<vmem_shared>>
    tpu.enqueue_indirect_dma source(%arg10 : memref<128x128xf32, #tpu.memory_space<vmem>>) target(%dma_start3A_106 : memref<1024x128xf32, #tpu.memory_space<vmem_shared>>) offsets(%dma_start3A_103 : memref<128xi32, #tpu.memory_space<vmem>>) semaphore(%arg20 : memref<!tpu.dma_semaphore, #tpu.memory_space<semaphore_mem>>) {add = true}
    %dma_start3A_107 = arith.constant 2 : i32
    %dma_start3A_108 = arith.constant 0 : i32
    %dma_start3A_109 = tpu.memref_slice %arg8[%dma_start3A_107, %dma_start3A_108] : memref<4x128xi32, #tpu.memory_space<vmem>> -> memref<1x128xi32, #tpu.memory_space<vmem>>
    %dma_start3A_110 = tpu.memref_squeeze %dma_start3A_109 : memref<1x128xi32, #tpu.memory_space<vmem>> -> memref<128xi32, #tpu.memory_space<vmem>>
    %dma_start3A_111 = arith.constant 0 : i32
    %dma_start3A_112 = arith.constant 0 : i32
    %dma_start3A_113 = tpu.memref_slice %arg12[%dma_start3A_111, %dma_start3A_112] : memref<1024x128xf32, #tpu.memory_space<vmem_shared>> -> memref<1024x128xf32, #tpu.memory_space<vmem_shared>>
    tpu.enqueue_indirect_dma source(%arg10 : memref<128x128xf32, #tpu.memory_space<vmem>>) target(%dma_start3A_113 : memref<1024x128xf32, #tpu.memory_space<vmem_shared>>) offsets(%dma_start3A_110 : memref<128xi32, #tpu.memory_space<vmem>>) semaphore(%arg20 : memref<!tpu.dma_semaphore, #tpu.memory_space<semaphore_mem>>) {add = true}
    %dma_start3A_114 = arith.constant 3 : i32
    %dma_start3A_115 = arith.constant 0 : i32
    %dma_start3A_116 = tpu.memref_slice %arg8[%dma_start3A_114, %dma_start3A_115] : memref<4x128xi32, #tpu.memory_space<vmem>> -> memref<1x128xi32, #tpu.memory_space<vmem>>
    %dma_start3A_117 = tpu.memref_squeeze %dma_start3A_116 : memref<1x128xi32, #tpu.memory_space<vmem>> -> memref<128xi32, #tpu.memory_space<vmem>>
    %dma_start3A_118 = arith.constant 0 : i32
    %dma_start3A_119 = arith.constant 0 : i32
    %dma_start3A_120 = tpu.memref_slice %arg12[%dma_start3A_118, %dma_start3A_119] : memref<1024x128xf32, #tpu.memory_space<vmem_shared>> -> memref<1024x128xf32, #tpu.memory_space<vmem_shared>>
    tpu.enqueue_indirect_dma source(%arg10 : memref<128x128xf32, #tpu.memory_space<vmem>>) target(%dma_start3A_120 : memref<1024x128xf32, #tpu.memory_space<vmem_shared>>) offsets(%dma_start3A_117 : memref<128xi32, #tpu.memory_space<vmem>>) semaphore(%arg20 : memref<!tpu.dma_semaphore, #tpu.memory_space<semaphore_mem>>) {add = true}
    %dma_wait3A_121 = arith.constant 0 : i32
    %dma_wait3A_122 = arith.constant 0 : i32
    %dma_wait3A_123 = arith.constant 0 : i32
    %dma_wait3A_124 = tpu.memref_slice %arg9[%dma_wait3A_121, %dma_wait3A_122, %dma_wait3A_123] : memref<4x128x128xf32, #tpu.memory_space<vmem>> -> memref<1x128x128xf32, #tpu.memory_space<vmem>>
    %dma_wait3A_125 = tpu.memref_squeeze %dma_wait3A_124 : memref<1x128x128xf32, #tpu.memory_space<vmem>> -> memref<128x128xf32, #tpu.memory_space<vmem>>
    %dma_wait3A_126 = arith.constant 0 : i32
    %dma_wait3A_127 = tpu.memref_slice %arg2[%add3A_17, %dma_wait3A_126] : memref<16384x128xf32, #tpu.memory_space<hbm>> -> memref<128x128xf32, #tpu.memory_space<hbm>>
    %dma_wait3A_128 = arith.constant 0 : i32
    %dma_wait3A_129 = arith.constant 0 : i32
    %dma_wait3A_130 = tpu.memref_slice %arg9[%dma_wait3A_121, %dma_wait3A_128, %dma_wait3A_129] : memref<4x128x128xf32, #tpu.memory_space<vmem>> -> memref<1x128x128xf32, #tpu.memory_space<vmem>>
    %dma_wait3A_131 = tpu.memref_squeeze %dma_wait3A_130 : memref<1x128x128xf32, #tpu.memory_space<vmem>> -> memref<128x128xf32, #tpu.memory_space<vmem>>
    %dma_wait3A_132 = arith.constant 0 : i32
    %dma_wait3A_133 = tpu.memref_slice %arg2[%add3A_17, %dma_wait3A_132] : memref<16384x128xf32, #tpu.memory_space<hbm>> -> memref<128x128xf32, #tpu.memory_space<hbm>>
    tpu.wait_dma2 semaphore(%arg13 : memref<!tpu.dma_semaphore, #tpu.memory_space<semaphore_mem>>) src(%dma_wait3A_133 : memref<128x128xf32, #tpu.memory_space<hbm>>) dst(%dma_wait3A_131 : memref<128x128xf32, #tpu.memory_space<vmem>>)
    %dma_start3A_134 = arith.constant 0 : i32
    %dma_start3A_135 = arith.constant 0 : i32
    %dma_start3A_136 = arith.constant 0 : i32
    %dma_start3A_137 = arith.constant 0 : i32
    %dma_start3A_138 = tpu.memref_slice %arg9[%dma_start3A_134, %dma_start3A_136, %dma_start3A_137] : memref<4x128x128xf32, #tpu.memory_space<vmem>> -> memref<1x128x128xf32, #tpu.memory_space<vmem>>
    %dma_start3A_139 = tpu.memref_squeeze %dma_start3A_138 : memref<1x128x128xf32, #tpu.memory_space<vmem>> -> memref<128x128xf32, #tpu.memory_space<vmem>>
    %dma_start3A_140 = arith.constant 0 : i32
    %dma_start3A_141 = tpu.memref_slice %arg8[%dma_start3A_135, %dma_start3A_140] : memref<4x128xi32, #tpu.memory_space<vmem>> -> memref<1x128xi32, #tpu.memory_space<vmem>>
    %dma_start3A_142 = tpu.memref_squeeze %dma_start3A_141 : memref<1x128xi32, #tpu.memory_space<vmem>> -> memref<128xi32, #tpu.memory_space<vmem>>
    %dma_start3A_143 = arith.constant 0 : i32
    %dma_start3A_144 = arith.constant 0 : i32
    %dma_start3A_145 = tpu.memref_slice %arg11[%dma_start3A_143, %dma_start3A_144] : memref<1024x128xf32, #tpu.memory_space<vmem_shared>> -> memref<1024x128xf32, #tpu.memory_space<vmem_shared>>
    tpu.enqueue_indirect_dma source(%dma_start3A_139 : memref<128x128xf32, #tpu.memory_space<vmem>>) target(%dma_start3A_145 : memref<1024x128xf32, #tpu.memory_space<vmem_shared>>) offsets(%dma_start3A_142 : memref<128xi32, #tpu.memory_space<vmem>>) semaphore(%arg20 : memref<!tpu.dma_semaphore, #tpu.memory_space<semaphore_mem>>) {add = true}
    %dma_wait3A_146 = arith.constant 1 : i32
    %dma_wait3A_147 = arith.constant 0 : i32
    %dma_wait3A_148 = arith.constant 0 : i32
    %dma_wait3A_149 = tpu.memref_slice %arg9[%dma_wait3A_146, %dma_wait3A_147, %dma_wait3A_148] : memref<4x128x128xf32, #tpu.memory_space<vmem>> -> memref<1x128x128xf32, #tpu.memory_space<vmem>>
    %dma_wait3A_150 = tpu.memref_squeeze %dma_wait3A_149 : memref<1x128x128xf32, #tpu.memory_space<vmem>> -> memref<128x128xf32, #tpu.memory_space<vmem>>
    %dma_wait3A_151 = arith.constant 0 : i32
    %dma_wait3A_152 = tpu.memref_slice %arg2[%add3A_34, %dma_wait3A_151] : memref<16384x128xf32, #tpu.memory_space<hbm>> -> memref<128x128xf32, #tpu.memory_space<hbm>>
    %dma_wait3A_153 = arith.constant 0 : i32
    %dma_wait3A_154 = arith.constant 0 : i32
    %dma_wait3A_155 = tpu.memref_slice %arg9[%dma_wait3A_146, %dma_wait3A_153, %dma_wait3A_154] : memref<4x128x128xf32, #tpu.memory_space<vmem>> -> memref<1x128x128xf32, #tpu.memory_space<vmem>>
    %dma_wait3A_156 = tpu.memref_squeeze %dma_wait3A_155 : memref<1x128x128xf32, #tpu.memory_space<vmem>> -> memref<128x128xf32, #tpu.memory_space<vmem>>
    %dma_wait3A_157 = arith.constant 0 : i32
    %dma_wait3A_158 = tpu.memref_slice %arg2[%add3A_34, %dma_wait3A_157] : memref<16384x128xf32, #tpu.memory_space<hbm>> -> memref<128x128xf32, #tpu.memory_space<hbm>>
    tpu.wait_dma2 semaphore(%arg14 : memref<!tpu.dma_semaphore, #tpu.memory_space<semaphore_mem>>) src(%dma_wait3A_158 : memref<128x128xf32, #tpu.memory_space<hbm>>) dst(%dma_wait3A_156 : memref<128x128xf32, #tpu.memory_space<vmem>>)
    %dma_start3A_159 = arith.constant 1 : i32
    %dma_start3A_160 = arith.constant 1 : i32
    %dma_start3A_161 = arith.constant 0 : i32
    %dma_start3A_162 = arith.constant 0 : i32
    %dma_start3A_163 = tpu.memref_slice %arg9[%dma_start3A_159, %dma_start3A_161, %dma_start3A_162] : memref<4x128x128xf32, #tpu.memory_space<vmem>> -> memref<1x128x128xf32, #tpu.memory_space<vmem>>
    %dma_start3A_164 = tpu.memref_squeeze %dma_start3A_163 : memref<1x128x128xf32, #tpu.memory_space<vmem>> -> memref<128x128xf32, #tpu.memory_space<vmem>>
    %dma_start3A_165 = arith.constant 0 : i32
    %dma_start3A_166 = tpu.memref_slice %arg8[%dma_start3A_160, %dma_start3A_165] : memref<4x128xi32, #tpu.memory_space<vmem>> -> memref<1x128xi32, #tpu.memory_space<vmem>>
    %dma_start3A_167 = tpu.memref_squeeze %dma_start3A_166 : memref<1x128xi32, #tpu.memory_space<vmem>> -> memref<128xi32, #tpu.memory_space<vmem>>
    %dma_start3A_168 = arith.constant 0 : i32
    %dma_start3A_169 = arith.constant 0 : i32
    %dma_start3A_170 = tpu.memref_slice %arg11[%dma_start3A_168, %dma_start3A_169] : memref<1024x128xf32, #tpu.memory_space<vmem_shared>> -> memref<1024x128xf32, #tpu.memory_space<vmem_shared>>
    tpu.enqueue_indirect_dma source(%dma_start3A_164 : memref<128x128xf32, #tpu.memory_space<vmem>>) target(%dma_start3A_170 : memref<1024x128xf32, #tpu.memory_space<vmem_shared>>) offsets(%dma_start3A_167 : memref<128xi32, #tpu.memory_space<vmem>>) semaphore(%arg20 : memref<!tpu.dma_semaphore, #tpu.memory_space<semaphore_mem>>) {add = true}
    %dma_wait3A_171 = arith.constant 2 : i32
    %dma_wait3A_172 = arith.constant 0 : i32
    %dma_wait3A_173 = arith.constant 0 : i32
    %dma_wait3A_174 = tpu.memref_slice %arg9[%dma_wait3A_171, %dma_wait3A_172, %dma_wait3A_173] : memref<4x128x128xf32, #tpu.memory_space<vmem>> -> memref<1x128x128xf32, #tpu.memory_space<vmem>>
    %dma_wait3A_175 = tpu.memref_squeeze %dma_wait3A_174 : memref<1x128x128xf32, #tpu.memory_space<vmem>> -> memref<128x128xf32, #tpu.memory_space<vmem>>
    %dma_wait3A_176 = arith.constant 0 : i32
    %dma_wait3A_177 = tpu.memref_slice %arg2[%add3A_51, %dma_wait3A_176] : memref<16384x128xf32, #tpu.memory_space<hbm>> -> memref<128x128xf32, #tpu.memory_space<hbm>>
    %dma_wait3A_178 = arith.constant 0 : i32
    %dma_wait3A_179 = arith.constant 0 : i32
    %dma_wait3A_180 = tpu.memref_slice %arg9[%dma_wait3A_171, %dma_wait3A_178, %dma_wait3A_179] : memref<4x128x128xf32, #tpu.memory_space<vmem>> -> memref<1x128x128xf32, #tpu.memory_space<vmem>>
    %dma_wait3A_181 = tpu.memref_squeeze %dma_wait3A_180 : memref<1x128x128xf32, #tpu.memory_space<vmem>> -> memref<128x128xf32, #tpu.memory_space<vmem>>
    %dma_wait3A_182 = arith.constant 0 : i32
    %dma_wait3A_183 = tpu.memref_slice %arg2[%add3A_51, %dma_wait3A_182] : memref<16384x128xf32, #tpu.memory_space<hbm>> -> memref<128x128xf32, #tpu.memory_space<hbm>>
    tpu.wait_dma2 semaphore(%arg15 : memref<!tpu.dma_semaphore, #tpu.memory_space<semaphore_mem>>) src(%dma_wait3A_183 : memref<128x128xf32, #tpu.memory_space<hbm>>) dst(%dma_wait3A_181 : memref<128x128xf32, #tpu.memory_space<vmem>>)
    %dma_start3A_184 = arith.constant 2 : i32
    %dma_start3A_185 = arith.constant 2 : i32
    %dma_start3A_186 = arith.constant 0 : i32
    %dma_start3A_187 = arith.constant 0 : i32
    %dma_start3A_188 = tpu.memref_slice %arg9[%dma_start3A_184, %dma_start3A_186, %dma_start3A_187] : memref<4x128x128xf32, #tpu.memory_space<vmem>> -> memref<1x128x128xf32, #tpu.memory_space<vmem>>
    %dma_start3A_189 = tpu.memref_squeeze %dma_start3A_188 : memref<1x128x128xf32, #tpu.memory_space<vmem>> -> memref<128x128xf32, #tpu.memory_space<vmem>>
    %dma_start3A_190 = arith.constant 0 : i32
    %dma_start3A_191 = tpu.memref_slice %arg8[%dma_start3A_185, %dma_start3A_190] : memref<4x128xi32, #tpu.memory_space<vmem>> -> memref<1x128xi32, #tpu.memory_space<vmem>>
    %dma_start3A_192 = tpu.memref_squeeze %dma_start3A_191 : memref<1x128xi32, #tpu.memory_space<vmem>> -> memref<128xi32, #tpu.memory_space<vmem>>
    %dma_start3A_193 = arith.constant 0 : i32
    %dma_start3A_194 = arith.constant 0 : i32
    %dma_start3A_195 = tpu.memref_slice %arg11[%dma_start3A_193, %dma_start3A_194] : memref<1024x128xf32, #tpu.memory_space<vmem_shared>> -> memref<1024x128xf32, #tpu.memory_space<vmem_shared>>
    tpu.enqueue_indirect_dma source(%dma_start3A_189 : memref<128x128xf32, #tpu.memory_space<vmem>>) target(%dma_start3A_195 : memref<1024x128xf32, #tpu.memory_space<vmem_shared>>) offsets(%dma_start3A_192 : memref<128xi32, #tpu.memory_space<vmem>>) semaphore(%arg20 : memref<!tpu.dma_semaphore, #tpu.memory_space<semaphore_mem>>) {add = true}
    %dma_wait3A_196 = arith.constant 3 : i32
    %dma_wait3A_197 = arith.constant 0 : i32
    %dma_wait3A_198 = arith.constant 0 : i32
    %dma_wait3A_199 = tpu.memref_slice %arg9[%dma_wait3A_196, %dma_wait3A_197, %dma_wait3A_198] : memref<4x128x128xf32, #tpu.memory_space<vmem>> -> memref<1x128x128xf32, #tpu.memory_space<vmem>>
    %dma_wait3A_200 = tpu.memref_squeeze %dma_wait3A_199 : memref<1x128x128xf32, #tpu.memory_space<vmem>> -> memref<128x128xf32, #tpu.memory_space<vmem>>
    %dma_wait3A_201 = arith.constant 0 : i32
    %dma_wait3A_202 = tpu.memref_slice %arg2[%add3A_68, %dma_wait3A_201] : memref<16384x128xf32, #tpu.memory_space<hbm>> -> memref<128x128xf32, #tpu.memory_space<hbm>>
    %dma_wait3A_203 = arith.constant 0 : i32
    %dma_wait3A_204 = arith.constant 0 : i32
    %dma_wait3A_205 = tpu.memref_slice %arg9[%dma_wait3A_196, %dma_wait3A_203, %dma_wait3A_204] : memref<4x128x128xf32, #tpu.memory_space<vmem>> -> memref<1x128x128xf32, #tpu.memory_space<vmem>>
    %dma_wait3A_206 = tpu.memref_squeeze %dma_wait3A_205 : memref<1x128x128xf32, #tpu.memory_space<vmem>> -> memref<128x128xf32, #tpu.memory_space<vmem>>
    %dma_wait3A_207 = arith.constant 0 : i32
    %dma_wait3A_208 = tpu.memref_slice %arg2[%add3A_68, %dma_wait3A_207] : memref<16384x128xf32, #tpu.memory_space<hbm>> -> memref<128x128xf32, #tpu.memory_space<hbm>>
    tpu.wait_dma2 semaphore(%arg16 : memref<!tpu.dma_semaphore, #tpu.memory_space<semaphore_mem>>) src(%dma_wait3A_208 : memref<128x128xf32, #tpu.memory_space<hbm>>) dst(%dma_wait3A_206 : memref<128x128xf32, #tpu.memory_space<vmem>>)
    %dma_start3A_209 = arith.constant 3 : i32
    %dma_start3A_210 = arith.constant 3 : i32
    %dma_start3A_211 = arith.constant 0 : i32
    %dma_start3A_212 = arith.constant 0 : i32
    %dma_start3A_213 = tpu.memref_slice %arg9[%dma_start3A_209, %dma_start3A_211, %dma_start3A_212] : memref<4x128x128xf32, #tpu.memory_space<vmem>> -> memref<1x128x128xf32, #tpu.memory_space<vmem>>
    %dma_start3A_214 = tpu.memref_squeeze %dma_start3A_213 : memref<1x128x128xf32, #tpu.memory_space<vmem>> -> memref<128x128xf32, #tpu.memory_space<vmem>>
    %dma_start3A_215 = arith.constant 0 : i32
    %dma_start3A_216 = tpu.memref_slice %arg8[%dma_start3A_210, %dma_start3A_215] : memref<4x128xi32, #tpu.memory_space<vmem>> -> memref<1x128xi32, #tpu.memory_space<vmem>>
    %dma_start3A_217 = tpu.memref_squeeze %dma_start3A_216 : memref<1x128xi32, #tpu.memory_space<vmem>> -> memref<128xi32, #tpu.memory_space<vmem>>
    %dma_start3A_218 = arith.constant 0 : i32
    %dma_start3A_219 = arith.constant 0 : i32
    %dma_start3A_220 = tpu.memref_slice %arg11[%dma_start3A_218, %dma_start3A_219] : memref<1024x128xf32, #tpu.memory_space<vmem_shared>> -> memref<1024x128xf32, #tpu.memory_space<vmem_shared>>
    tpu.enqueue_indirect_dma source(%dma_start3A_214 : memref<128x128xf32, #tpu.memory_space<vmem>>) target(%dma_start3A_220 : memref<1024x128xf32, #tpu.memory_space<vmem_shared>>) offsets(%dma_start3A_217 : memref<128xi32, #tpu.memory_space<vmem>>) semaphore(%arg20 : memref<!tpu.dma_semaphore, #tpu.memory_space<semaphore_mem>>) {add = true}
    %dma_wait3A_221 = arith.constant 0 : i32
    %dma_wait3A_222 = arith.constant 0 : i32
    %dma_wait3A_223 = tpu.memref_slice %arg8[%dma_wait3A_221, %dma_wait3A_222] : memref<4x128xi32, #tpu.memory_space<vmem>> -> memref<1x128xi32, #tpu.memory_space<vmem>>
    %dma_wait3A_224 = tpu.memref_squeeze %dma_wait3A_223 : memref<1x128xi32, #tpu.memory_space<vmem>> -> memref<128xi32, #tpu.memory_space<vmem>>
    %dma_wait3A_225 = arith.constant 0 : i32
    %dma_wait3A_226 = arith.constant 0 : i32
    %dma_wait3A_227 = tpu.memref_slice %arg12[%dma_wait3A_225, %dma_wait3A_226] : memref<1024x128xf32, #tpu.memory_space<vmem_shared>> -> memref<1024x128xf32, #tpu.memory_space<vmem_shared>>
    tpu.wait_indirect_dma semaphore(%arg20 : memref<!tpu.dma_semaphore, #tpu.memory_space<semaphore_mem>>) src(%arg10 : memref<128x128xf32, #tpu.memory_space<vmem>>) dst(%dma_wait3A_227 : memref<1024x128xf32, #tpu.memory_space<vmem_shared>>)
    %dma_wait3A_228 = arith.constant 1 : i32
    %dma_wait3A_229 = arith.constant 0 : i32
    %dma_wait3A_230 = tpu.memref_slice %arg8[%dma_wait3A_228, %dma_wait3A_229] : memref<4x128xi32, #tpu.memory_space<vmem>> -> memref<1x128xi32, #tpu.memory_space<vmem>>
    %dma_wait3A_231 = tpu.memref_squeeze %dma_wait3A_230 : memref<1x128xi32, #tpu.memory_space<vmem>> -> memref<128xi32, #tpu.memory_space<vmem>>
    %dma_wait3A_232 = arith.constant 0 : i32
    %dma_wait3A_233 = arith.constant 0 : i32
    %dma_wait3A_234 = tpu.memref_slice %arg12[%dma_wait3A_232, %dma_wait3A_233] : memref<1024x128xf32, #tpu.memory_space<vmem_shared>> -> memref<1024x128xf32, #tpu.memory_space<vmem_shared>>
    tpu.wait_indirect_dma semaphore(%arg20 : memref<!tpu.dma_semaphore, #tpu.memory_space<semaphore_mem>>) src(%arg10 : memref<128x128xf32, #tpu.memory_space<vmem>>) dst(%dma_wait3A_234 : memref<1024x128xf32, #tpu.memory_space<vmem_shared>>)
    %dma_wait3A_235 = arith.constant 2 : i32
    %dma_wait3A_236 = arith.constant 0 : i32
    %dma_wait3A_237 = tpu.memref_slice %arg8[%dma_wait3A_235, %dma_wait3A_236] : memref<4x128xi32, #tpu.memory_space<vmem>> -> memref<1x128xi32, #tpu.memory_space<vmem>>
    %dma_wait3A_238 = tpu.memref_squeeze %dma_wait3A_237 : memref<1x128xi32, #tpu.memory_space<vmem>> -> memref<128xi32, #tpu.memory_space<vmem>>
    %dma_wait3A_239 = arith.constant 0 : i32
    %dma_wait3A_240 = arith.constant 0 : i32
    %dma_wait3A_241 = tpu.memref_slice %arg12[%dma_wait3A_239, %dma_wait3A_240] : memref<1024x128xf32, #tpu.memory_space<vmem_shared>> -> memref<1024x128xf32, #tpu.memory_space<vmem_shared>>
    tpu.wait_indirect_dma semaphore(%arg20 : memref<!tpu.dma_semaphore, #tpu.memory_space<semaphore_mem>>) src(%arg10 : memref<128x128xf32, #tpu.memory_space<vmem>>) dst(%dma_wait3A_241 : memref<1024x128xf32, #tpu.memory_space<vmem_shared>>)
    %dma_wait3A_242 = arith.constant 3 : i32
    %dma_wait3A_243 = arith.constant 0 : i32
    %dma_wait3A_244 = tpu.memref_slice %arg8[%dma_wait3A_242, %dma_wait3A_243] : memref<4x128xi32, #tpu.memory_space<vmem>> -> memref<1x128xi32, #tpu.memory_space<vmem>>
    %dma_wait3A_245 = tpu.memref_squeeze %dma_wait3A_244 : memref<1x128xi32, #tpu.memory_space<vmem>> -> memref<128xi32, #tpu.memory_space<vmem>>
    %dma_wait3A_246 = arith.constant 0 : i32
    %dma_wait3A_247 = arith.constant 0 : i32
    %dma_wait3A_248 = tpu.memref_slice %arg12[%dma_wait3A_246, %dma_wait3A_247] : memref<1024x128xf32, #tpu.memory_space<vmem_shared>> -> memref<1024x128xf32, #tpu.memory_space<vmem_shared>>
    tpu.wait_indirect_dma semaphore(%arg20 : memref<!tpu.dma_semaphore, #tpu.memory_space<semaphore_mem>>) src(%arg10 : memref<128x128xf32, #tpu.memory_space<vmem>>) dst(%dma_wait3A_248 : memref<1024x128xf32, #tpu.memory_space<vmem_shared>>)
    %dma_wait3A_249 = arith.constant 0 : i32
    %dma_wait3A_250 = arith.constant 0 : i32
    %dma_wait3A_251 = arith.constant 0 : i32
    %dma_wait3A_252 = arith.constant 0 : i32
    %dma_wait3A_253 = tpu.memref_slice %arg9[%dma_wait3A_249, %dma_wait3A_251, %dma_wait3A_252] : memref<4x128x128xf32, #tpu.memory_space<vmem>> -> memref<1x128x128xf32, #tpu.memory_space<vmem>>
    %dma_wait3A_254 = tpu.memref_squeeze %dma_wait3A_253 : memref<1x128x128xf32, #tpu.memory_space<vmem>> -> memref<128x128xf32, #tpu.memory_space<vmem>>
    %dma_wait3A_255 = arith.constant 0 : i32
    %dma_wait3A_256 = tpu.memref_slice %arg8[%dma_wait3A_250, %dma_wait3A_255] : memref<4x128xi32, #tpu.memory_space<vmem>> -> memref<1x128xi32, #tpu.memory_space<vmem>>
    %dma_wait3A_257 = tpu.memref_squeeze %dma_wait3A_256 : memref<1x128xi32, #tpu.memory_space<vmem>> -> memref<128xi32, #tpu.memory_space<vmem>>
    %dma_wait3A_258 = arith.constant 0 : i32
    %dma_wait3A_259 = arith.constant 0 : i32
    %dma_wait3A_260 = tpu.memref_slice %arg11[%dma_wait3A_258, %dma_wait3A_259] : memref<1024x128xf32, #tpu.memory_space<vmem_shared>> -> memref<1024x128xf32, #tpu.memory_space<vmem_shared>>
    tpu.wait_indirect_dma semaphore(%arg20 : memref<!tpu.dma_semaphore, #tpu.memory_space<semaphore_mem>>) src(%dma_wait3A_254 : memref<128x128xf32, #tpu.memory_space<vmem>>) dst(%dma_wait3A_260 : memref<1024x128xf32, #tpu.memory_space<vmem_shared>>)
    %dma_wait3A_261 = arith.constant 1 : i32
    %dma_wait3A_262 = arith.constant 1 : i32
    %dma_wait3A_263 = arith.constant 0 : i32
    %dma_wait3A_264 = arith.constant 0 : i32
    %dma_wait3A_265 = tpu.memref_slice %arg9[%dma_wait3A_261, %dma_wait3A_263, %dma_wait3A_264] : memref<4x128x128xf32, #tpu.memory_space<vmem>> -> memref<1x128x128xf32, #tpu.memory_space<vmem>>
    %dma_wait3A_266 = tpu.memref_squeeze %dma_wait3A_265 : memref<1x128x128xf32, #tpu.memory_space<vmem>> -> memref<128x128xf32, #tpu.memory_space<vmem>>
    %dma_wait3A_267 = arith.constant 0 : i32
    %dma_wait3A_268 = tpu.memref_slice %arg8[%dma_wait3A_262, %dma_wait3A_267] : memref<4x128xi32, #tpu.memory_space<vmem>> -> memref<1x128xi32, #tpu.memory_space<vmem>>
    %dma_wait3A_269 = tpu.memref_squeeze %dma_wait3A_268 : memref<1x128xi32, #tpu.memory_space<vmem>> -> memref<128xi32, #tpu.memory_space<vmem>>
    %dma_wait3A_270 = arith.constant 0 : i32
    %dma_wait3A_271 = arith.constant 0 : i32
    %dma_wait3A_272 = tpu.memref_slice %arg11[%dma_wait3A_270, %dma_wait3A_271] : memref<1024x128xf32, #tpu.memory_space<vmem_shared>> -> memref<1024x128xf32, #tpu.memory_space<vmem_shared>>
    tpu.wait_indirect_dma semaphore(%arg20 : memref<!tpu.dma_semaphore, #tpu.memory_space<semaphore_mem>>) src(%dma_wait3A_266 : memref<128x128xf32, #tpu.memory_space<vmem>>) dst(%dma_wait3A_272 : memref<1024x128xf32, #tpu.memory_space<vmem_shared>>)
    %dma_wait3A_273 = arith.constant 2 : i32
    %dma_wait3A_274 = arith.constant 2 : i32
    %dma_wait3A_275 = arith.constant 0 : i32
    %dma_wait3A_276 = arith.constant 0 : i32
    %dma_wait3A_277 = tpu.memref_slice %arg9[%dma_wait3A_273, %dma_wait3A_275, %dma_wait3A_276] : memref<4x128x128xf32, #tpu.memory_space<vmem>> -> memref<1x128x128xf32, #tpu.memory_space<vmem>>
    %dma_wait3A_278 = tpu.memref_squeeze %dma_wait3A_277 : memref<1x128x128xf32, #tpu.memory_space<vmem>> -> memref<128x128xf32, #tpu.memory_space<vmem>>
    %dma_wait3A_279 = arith.constant 0 : i32
    %dma_wait3A_280 = tpu.memref_slice %arg8[%dma_wait3A_274, %dma_wait3A_279] : memref<4x128xi32, #tpu.memory_space<vmem>> -> memref<1x128xi32, #tpu.memory_space<vmem>>
    %dma_wait3A_281 = tpu.memref_squeeze %dma_wait3A_280 : memref<1x128xi32, #tpu.memory_space<vmem>> -> memref<128xi32, #tpu.memory_space<vmem>>
    %dma_wait3A_282 = arith.constant 0 : i32
    %dma_wait3A_283 = arith.constant 0 : i32
    %dma_wait3A_284 = tpu.memref_slice %arg11[%dma_wait3A_282, %dma_wait3A_283] : memref<1024x128xf32, #tpu.memory_space<vmem_shared>> -> memref<1024x128xf32, #tpu.memory_space<vmem_shared>>
    tpu.wait_indirect_dma semaphore(%arg20 : memref<!tpu.dma_semaphore, #tpu.memory_space<semaphore_mem>>) src(%dma_wait3A_278 : memref<128x128xf32, #tpu.memory_space<vmem>>) dst(%dma_wait3A_284 : memref<1024x128xf32, #tpu.memory_space<vmem_shared>>)
    %dma_wait3A_285 = arith.constant 3 : i32
    %dma_wait3A_286 = arith.constant 3 : i32
    %dma_wait3A_287 = arith.constant 0 : i32
    %dma_wait3A_288 = arith.constant 0 : i32
    %dma_wait3A_289 = tpu.memref_slice %arg9[%dma_wait3A_285, %dma_wait3A_287, %dma_wait3A_288] : memref<4x128x128xf32, #tpu.memory_space<vmem>> -> memref<1x128x128xf32, #tpu.memory_space<vmem>>
    %dma_wait3A_290 = tpu.memref_squeeze %dma_wait3A_289 : memref<1x128x128xf32, #tpu.memory_space<vmem>> -> memref<128x128xf32, #tpu.memory_space<vmem>>
    %dma_wait3A_291 = arith.constant 0 : i32
    %dma_wait3A_292 = tpu.memref_slice %arg8[%dma_wait3A_286, %dma_wait3A_291] : memref<4x128xi32, #tpu.memory_space<vmem>> -> memref<1x128xi32, #tpu.memory_space<vmem>>
    %dma_wait3A_293 = tpu.memref_squeeze %dma_wait3A_292 : memref<1x128xi32, #tpu.memory_space<vmem>> -> memref<128xi32, #tpu.memory_space<vmem>>
    %dma_wait3A_294 = arith.constant 0 : i32
    %dma_wait3A_295 = arith.constant 0 : i32
    %dma_wait3A_296 = tpu.memref_slice %arg11[%dma_wait3A_294, %dma_wait3A_295] : memref<1024x128xf32, #tpu.memory_space<vmem_shared>> -> memref<1024x128xf32, #tpu.memory_space<vmem_shared>>
    tpu.wait_indirect_dma semaphore(%arg20 : memref<!tpu.dma_semaphore, #tpu.memory_space<semaphore_mem>>) src(%dma_wait3A_290 : memref<128x128xf32, #tpu.memory_space<vmem>>) dst(%dma_wait3A_296 : memref<1024x128xf32, #tpu.memory_space<vmem_shared>>)
    %barrier3A_297 = arith.constant 0 : index
    tpu.barrier barrier_id(%barrier3A_297)
    %dma_start3A_298 = arith.constant 0 : i32
    %dma_start3A_299 = tpu.memref_slice %arg6[%arg0, %mul3A_2, %dma_start3A_298] : memref<2x1024x128xf32, #tpu.memory_space<hbm>> -> memref<1x64x128xf32, #tpu.memory_space<hbm>>
    %dma_start3A_300 = tpu.memref_squeeze %dma_start3A_299 : memref<1x64x128xf32, #tpu.memory_space<hbm>> -> memref<64x128xf32, #tpu.memory_space<hbm>>
    %dma_start3A_301 = arith.constant 0 : i32
    %dma_start3A_302 = tpu.memref_slice %arg11[%mul3A_2, %dma_start3A_301] : memref<1024x128xf32, #tpu.memory_space<vmem_shared>> -> memref<64x128xf32, #tpu.memory_space<vmem_shared>>
    tpu.enqueue_dma source(%dma_start3A_302 : memref<64x128xf32, #tpu.memory_space<vmem_shared>>) target(%dma_start3A_300 : memref<64x128xf32, #tpu.memory_space<hbm>>) target_semaphore(%arg13 : memref<!tpu.dma_semaphore, #tpu.memory_space<semaphore_mem>>)
    %dma_start3A_303 = arith.constant 0 : i32
    %dma_start3A_304 = tpu.memref_slice %arg7[%arg0, %mul3A_2, %dma_start3A_303] : memref<2x1024x128xf32, #tpu.memory_space<hbm>> -> memref<1x64x128xf32, #tpu.memory_space<hbm>>
    %dma_start3A_305 = tpu.memref_squeeze %dma_start3A_304 : memref<1x64x128xf32, #tpu.memory_space<hbm>> -> memref<64x128xf32, #tpu.memory_space<hbm>>
    %dma_start3A_306 = arith.constant 0 : i32
    %dma_start3A_307 = tpu.memref_slice %arg12[%mul3A_2, %dma_start3A_306] : memref<1024x128xf32, #tpu.memory_space<vmem_shared>> -> memref<64x128xf32, #tpu.memory_space<vmem_shared>>
    tpu.enqueue_dma source(%dma_start3A_307 : memref<64x128xf32, #tpu.memory_space<vmem_shared>>) target(%dma_start3A_305 : memref<64x128xf32, #tpu.memory_space<hbm>>) target_semaphore(%arg14 : memref<!tpu.dma_semaphore, #tpu.memory_space<semaphore_mem>>)
    %dma_wait3A_308 = arith.constant 0 : i32
    %dma_wait3A_309 = tpu.memref_slice %arg6[%arg0, %mul3A_2, %dma_wait3A_308] : memref<2x1024x128xf32, #tpu.memory_space<hbm>> -> memref<1x64x128xf32, #tpu.memory_space<hbm>>
    %dma_wait3A_310 = tpu.memref_squeeze %dma_wait3A_309 : memref<1x64x128xf32, #tpu.memory_space<hbm>> -> memref<64x128xf32, #tpu.memory_space<hbm>>
    %dma_wait3A_311 = arith.constant 0 : i32
    %dma_wait3A_312 = tpu.memref_slice %arg11[%mul3A_2, %dma_wait3A_311] : memref<1024x128xf32, #tpu.memory_space<vmem_shared>> -> memref<64x128xf32, #tpu.memory_space<vmem_shared>>
    tpu.wait_dma2 semaphore(%arg13 : memref<!tpu.dma_semaphore, #tpu.memory_space<semaphore_mem>>) src(%dma_wait3A_312 : memref<64x128xf32, #tpu.memory_space<vmem_shared>>) dst(%dma_wait3A_310 : memref<64x128xf32, #tpu.memory_space<hbm>>)
    %dma_wait3A_313 = arith.constant 0 : i32
    %dma_wait3A_314 = tpu.memref_slice %arg7[%arg0, %mul3A_2, %dma_wait3A_313] : memref<2x1024x128xf32, #tpu.memory_space<hbm>> -> memref<1x64x128xf32, #tpu.memory_space<hbm>>
    %dma_wait3A_315 = tpu.memref_squeeze %dma_wait3A_314 : memref<1x64x128xf32, #tpu.memory_space<hbm>> -> memref<64x128xf32, #tpu.memory_space<hbm>>
    %dma_wait3A_316 = arith.constant 0 : i32
    %dma_wait3A_317 = tpu.memref_slice %arg12[%mul3A_2, %dma_wait3A_316] : memref<1024x128xf32, #tpu.memory_space<vmem_shared>> -> memref<64x128xf32, #tpu.memory_space<vmem_shared>>
    tpu.wait_dma2 semaphore(%arg14 : memref<!tpu.dma_semaphore, #tpu.memory_space<semaphore_mem>>) src(%dma_wait3A_317 : memref<64x128xf32, #tpu.memory_space<vmem_shared>>) dst(%dma_wait3A_315 : memref<64x128xf32, #tpu.memory_space<hbm>>)
    return
  }
}

module attributes {stable_mosaic.version = 14 : i64} {
  func.func @_ema_body(%arg0: memref<2x1024x128xf32, #tpu.memory_space<vmem>>, %arg1: memref<2x1024x128xf32, #tpu.memory_space<vmem>>, %arg2: memref<1000x128xf32, #tpu.memory_space<vmem>>, %arg3: memref<1000x128xf32, #tpu.memory_space<vmem>>) attributes {dimension_semantics = [], scalar_prefetch = 0 : i64, scratch_operands = 0 : i64, tpu.core_type = #tpu.core_type<tc>} {
    %get3A = arith.constant 0 : index
    %get3A_0 = arith.constant 0 : index
    %get3A_1 = arith.constant 0 : index
    %get3A_2 = vector.load %arg0[%get3A, %get3A_0, %get3A_1] : memref<2x1024x128xf32, #tpu.memory_space<vmem>>, vector<1x1000x128xf32>
    %get3A_3 = vector.shape_cast %get3A_2 : vector<1x1000x128xf32> to vector<1000x128xf32>
    %get3A_4 = arith.constant 1 : index
    %get3A_5 = arith.constant 0 : index
    %get3A_6 = arith.constant 0 : index
    %get3A_7 = vector.load %arg0[%get3A_4, %get3A_5, %get3A_6] : memref<2x1024x128xf32, #tpu.memory_space<vmem>>, vector<1x1000x128xf32>
    %get3A_8 = vector.shape_cast %get3A_7 : vector<1x1000x128xf32> to vector<1000x128xf32>
    %add3A = arith.addf %get3A_3, %get3A_8 : vector<1000x128xf32>
    %get3A_9 = arith.constant 0 : index
    %get3A_10 = arith.constant 0 : index
    %get3A_11 = arith.constant 0 : index
    %get3A_12 = vector.load %arg1[%get3A_9, %get3A_10, %get3A_11] : memref<2x1024x128xf32, #tpu.memory_space<vmem>>, vector<1x1000x128xf32>
    %get3A_13 = vector.shape_cast %get3A_12 : vector<1x1000x128xf32> to vector<1000x128xf32>
    %get3A_14 = arith.constant 1 : index
    %get3A_15 = arith.constant 0 : index
    %get3A_16 = arith.constant 0 : index
    %get3A_17 = vector.load %arg1[%get3A_14, %get3A_15, %get3A_16] : memref<2x1024x128xf32, #tpu.memory_space<vmem>>, vector<1x1000x128xf32>
    %get3A_18 = vector.shape_cast %get3A_17 : vector<1x1000x128xf32> to vector<1000x128xf32>
    %add3A_19 = arith.addf %get3A_13, %get3A_18 : vector<1000x128xf32>
    %slice3A = vector.extract_strided_slice %add3A_19 {offsets = [0, 0], sizes = [1000, 1], strides = [1, 1]} : vector<1000x128xf32> to vector<1000x1xf32>
    %broadcast_in_dim3A = vector.shape_cast %slice3A : vector<1000x1xf32> to vector<1000x1xf32>
    %broadcast_in_dim3A_20 = vector.broadcast %broadcast_in_dim3A : vector<1000x1xf32> to vector<1000x128xf32>
    %get3A_21 = arith.constant 0 : index
    %get3A_22 = arith.constant 0 : index
    %get3A_23 = vector.load %arg2[%get3A_21, %get3A_22] : memref<1000x128xf32, #tpu.memory_space<vmem>>, vector<1000x128xf32>
    %max3A = arith.constant 1.000000e+00 : f32
    %max3A_24 = vector.broadcast %max3A : f32 to vector<1000x128xf32>
    %max3A_25 = arith.maximumf %broadcast_in_dim3A_20, %max3A_24 : vector<1000x128xf32>
    %div3A = arith.divf %add3A, %max3A_25 : vector<1000x128xf32>
    %gt3A = arith.constant 0.000000e+00 : f32
    %gt3A_26 = vector.broadcast %gt3A : f32 to vector<1000x128xf32>
    %gt3A_27 = arith.cmpf ogt, %broadcast_in_dim3A_20, %gt3A_26 : vector<1000x128xf32>
    %mul3A = arith.constant 9.900000e-01 : f32
    %mul3A_28 = vector.broadcast %mul3A : f32 to vector<1000x128xf32>
    %mul3A_29 = arith.mulf %mul3A_28, %get3A_23 : vector<1000x128xf32>
    %mul3A_30 = arith.constant 0.00999999977 : f32
    %mul3A_31 = vector.broadcast %mul3A_30 : f32 to vector<1000x128xf32>
    %mul3A_32 = arith.mulf %mul3A_31, %div3A : vector<1000x128xf32>
    %add3A_33 = arith.addf %mul3A_29, %mul3A_32 : vector<1000x128xf32>
    %select_n3A = arith.select %gt3A_27, %add3A_33, %get3A_23 : vector<1000x128xi1>, vector<1000x128xf32>
    %swap3A = arith.constant 0 : index
    %swap3A_34 = arith.constant 0 : index
    %swap3A_35 = vector.load %arg3[%swap3A, %swap3A_34] : memref<1000x128xf32, #tpu.memory_space<vmem>>, vector<1000x128xf32>
    tpu.vector_store %arg3[%swap3A, %swap3A_34], %select_n3A {strides = array<i32>} : memref<1000x128xf32, #tpu.memory_space<vmem>>, vector<1000x128xf32>,
    return
  }
}

</mosaic_0001>

<sc_bundles>
// kernel: _run.4.cloned.1.call-start
scs
__scs_entry_jumppad:
0x0: {  	(pc) =	sbr.rel $0x88, $3  }
0x1: {  	(tag) =	ssettag $0x0;
	lr =	simm.s32 $0x1  }
0x2: {  	[smem:$0x3F9E] =	sst lr;
	_ =	strace $0xD0000000  }
0x3: {  	_ = 	snop  }
0x4: {  	_ = 	snop  }
0x5: {  	_ = 	snop  }
0x6: {  	_ = 	snop  }
0x7: {  	_ = 	snop  }
__scs_overlays_trampoline_lowered:
0x8: {  	[smem:$0x3FAD] =	sst s0  }
0x9: {  	[smem:$0x3FAE] =	sst s1  }
0xa: {  	[smem:$0x3FAF] =	sst s2  }
0xb: {  	[smem:$0x3FB0] =	sst s3  }
0xc: {  	[smem:$0x3FB1] =	sst s4  }
0xd: {  	[smem:$0x3FB2] =	sst s5  }
0xe: {  	[smem:$0x3FB3] =	sst s6  }
0xf: {  	[smem:$0x3FB4] =	sst s7  }
0x10: {  	[smem:$0x3FB5] =	sst s8  }
0x11: {  	[smem:$0x3FB6] =	sst s9;
	s0 =	simm.s32 @!p0 $0x0  }
0x12: {  	s1 =	sld [smem:$0x3F9C];
	s0 =	simm.s32 @p0 $0x1  }
0x13: {  	[smem:$0x3FB7] =	sst s0;
	s0 =	simm.s32 @!p1 $0x0  }
0x14: {  	s2 =	sld [smem:$0x3F9B];
	s0 =	simm.s32 @p1 $0x1  }
0x15: {  	[smem:$0x3FB8] =	sst s0;
	s0 =	simm.s32 @!p2 $0x0  }
0x16: {  	s3 =	sld [smem:$0x3FDB];
	s0 =	simm.s32 @p2 $0x1  }
0x17: {  	s4 =	simm.s32 $0x1BF5;
	[smem:$0x3FBA] =	sst s0  }
0x18: {  	s0 =	sld [smem:$0x3F9D];
	_ =	swait.ge [sflag:s4], $0x0  }
0x19: {  	s7 =	sld [smem:$0x3F9E]  }
0x1a: {  	s8 =	sadd.s32 $0xFFFFE003, lr  }
0x1b: {  	s9 =	sadd.s32 $0xFFFFFEF7, lr;
	s5 =	simm.s32 $0xFFFFFFFF;
	p2 =	slt.u32 s8, $0xFFFFF086  }
0x1c: {  	p1 =	slt.u32 s9, $0xF7A;
	s5 =	simm.s32 @!p2 $0x0  }
0x1d: {  	s5 =	simm.s32 @p1 $0x1;
	p0 =	seq.s32 s7, s2  }
0x1e: {  	s7 =	smul.u32 @!p0 $0xF7A, s2;
	p2 =	seq.s32 @!p0 s5, $0x0  }
0x1f: {  	s9 =	smul.u32 $0xF7A, s1;
	s8 =	simm.s32 @!p0 $0x1BF5;
	p2 =	por !p2, p0  }
0x20: {  	[sflag:s8] =	ssyncset.s32 @!p0 $0xFFFFF086;
	s6 =	sadd.s32 @!p0 s3, s7;
	s7 =	simm.s32 @!p0 $0x108  }
0x21: {  	s3 =	sadd.s32 s3, s9;
	s6 =	sadd.s32 @!p0 $0x88, s6;
	s7 =	simm.s32 @p2 $0x1082  }
0x22: {  	[simem:s7], [sflag:s8] =	dma.local @!p0 [hbm:s6], $0xF7A  }
0x23: {  	s9 =	sor.u32 $0xD0000000, s2;
	s6 =	simm.s32 $0x108;
	_ =	swait.ge @!p0 [sflag:s8], $0x0  }
0x24: {  	s3 =	sadd.s32 $0x88, s3;
	s6 =	simm.s32 @!p1 $0x1082;
	[sflag:s4] =	ssyncset.s32 $0xFFFFF086  }
0x25: {  	[simem:s6], [sflag:s4] =	dma.local [hbm:s3], $0xF7A  }
0x26: {  	[smem:$0x3F9E] =	sst s1;
	(tag) =	ssettag s2;
	_ =	strace s9  }
0x27: {  	s1 =	sld [smem:$0x3FAE]  }
0x28: {  	s2 =	sld [smem:$0x3FAF]  }
0x29: {  	s4 =	sld [smem:$0x3FB1]  }
0x2a: {  	p0 =	seq.s32 s5, $0x0;
	s5 =	sld [smem:$0x3FB2]  }
0x2b: {  	s6 =	sld [smem:$0x3FB3]  }
0x2c: {  	s7 =	sld [smem:$0x3FB4]  }
0x2d: {  	s3 =	simm.s32 $0x108;
	s8 =	sld [smem:$0x3FB5]  }
0x2e: {  	s3 =	simm.s32 @!p0 $0x1082;
	s9 =	sld [smem:$0x3FB6]  }
0x2f: {  	lr =	sadd.s32 s0, s3;
	s0 =	sld [smem:$0x3FAD]  }
0x30: {  	s3 =	sld [smem:$0x3FB0]  }
0x31: {  	[smem:$0x3FB9] =	sst s10  }
0x32: {  	s10 =	sld [smem:$0x3FB7];
	_ =	sdelay $0x3  }
0x33: {  	p0 =	seq.s32 s10, $0x1;
	s10 =	sld [smem:$0x3FB9];
	_ =	sdelay $0x3  }
0x34: {  	[smem:$0x3FB9] =	sst s10  }
0x35: {  	s10 =	sld [smem:$0x3FB8];
	_ =	sdelay $0x3  }
0x36: {  	p1 =	seq.s32 s10, $0x1;
	s10 =	sld [smem:$0x3FB9];
	_ =	sdelay $0x3  }
0x37: {  	[smem:$0x3FB9] =	sst s10  }
0x38: {  	s10 =	sld [smem:$0x3FBA]  }
0x39: {  	_ = 	snop;
	(pc) =	sbr.ind lr, $3  }
0x3a: {  	_ = 	snop  }
0x3b: {  	_ = 	snop  }
0x3c: {  	p2 =	seq.s32 s10, $0x1;
	s10 =	sld [smem:$0x3FB9]  }
0x3d: {  	_ =	shalt  }
0x3e: {  	_ =	shalt  }
0x3f: {  	_ =	shalt  }
0x40: {  	_ =	shalt  }
0x41: {  	_ =	shalt  }
0x42: {  	_ =	shalt  }
0x43: {  	_ =	shalt  }
0x44: {  	_ =	shalt  }
0x45: {  	_ =	shalt  }
0x46: {  	_ =	shalt  }
0x47: {  	_ =	shalt  }
0x48: {  	_ =	shalt  }
0x49: {  	_ =	shalt  }
0x4a: {  	_ =	shalt  }
0x4b: {  	_ =	shalt  }
0x4c: {  	_ =	shalt  }
0x4d: {  	_ =	shalt  }
0x4e: {  	_ =	shalt  }
0x4f: {  	_ =	shalt  }
0x50: {  	_ =	shalt  }
0x51: {  	_ =	shalt  }
0x52: {  	_ =	shalt  }
0x53: {  	_ =	shalt  }
0x54: {  	_ =	shalt  }
0x55: {  	_ =	shalt  }
0x56: {  	_ =	shalt  }
0x57: {  	_ =	shalt  }
0x58: {  	_ =	shalt  }
0x59: {  	_ =	shalt  }
0x5a: {  	_ =	shalt  }
0x5b: {  	_ =	shalt  }
0x5c: {  	_ =	shalt  }
0x5d: {  	_ =	shalt  }
0x5e: {  	_ =	shalt  }
0x5f: {  	_ =	shalt  }
0x60: {  	_ =	shalt  }
0x61: {  	_ =	shalt  }
0x62: {  	_ =	shalt  }
0x63: {  	_ =	shalt  }
0x64: {  	_ =	shalt  }
0x65: {  	_ =	shalt  }
0x66: {  	_ =	shalt  }
0x67: {  	_ =	shalt  }
0x68: {  	_ =	shalt  }
0x69: {  	_ =	shalt  }
0x6a: {  	_ =	shalt  }
0x6b: {  	_ =	shalt  }
0x6c: {  	_ =	shalt  }
0x6d: {  	_ =	shalt  }
0x6e: {  	_ =	shalt  }
0x6f: {  	_ =	shalt  }
0x70: {  	_ =	shalt  }
0x71: {  	_ =	shalt  }
0x72: {  	_ =	shalt  }
0x73: {  	_ =	shalt  }
0x74: {  	_ =	shalt  }
0x75: {  	_ =	shalt  }
0x76: {  	_ =	shalt  }
0x77: {  	_ =	shalt  }
0x78: {  	_ =	shalt  }
0x79: {  	_ =	shalt  }
0x7a: {  	_ =	shalt  }
0x7b: {  	_ =	shalt  }
0x7c: {  	_ =	shalt  }
0x7d: {  	_ =	shalt  }
0x7e: {  	_ =	shalt  }
0x7f: {  	_ =	shalt  }
0x80: {  	_ =	shalt  }
0x81: {  	_ =	shalt  }
0x82: {  	_ =	shalt  }
0x83: {  	_ =	shalt  }
0x84: {  	_ =	shalt  }
0x85: {  	_ =	shalt  }
0x86: {  	_ =	shalt  }
0x87: {  	_ =	shalt  }
.Lfunc_end0:
.L_simem_size_0:
called_computation_lowered:
.L_overlay_start_0:
0x88: {  	s2 =	sld [smem:$0x3FD9]  }
0x89: {  	s3 =	sld [smem:$0x3FFE];
	_ =	sdelay $0x1  }
0x8a: {  	s1 =	srdreg.scid  }
0x8b: {  	s0 =	sand.u32 $0x1, s1  }
0x8c: {  	s17 =	sshll.u32 s0, $0xA;
	s2 =	sadd.s32 s3, s2  }
0x8d: {  	s2 =	sadd.s32 s2, s17  }
0x8e: {  	[smem:$0x3FC5] =	sst s2  }
0x8f: {  	_ = 	snop  }
0x90: {  	s2 =	sld [smem:$0x3FC9]  }
0x91: {  	s18 =	sld [smem:$0x3FC8]  }
0x92: {  	s4 =	sld [smem:$0x3FD0];
	(tm) =	ssettm $0x1  }
0x93: {  	s5 =	sld [smem:$0x3FFB];
	_ =	sdelay $0x3  }
0x94: {  	_ =	strace s5  }
0x95: {  	s5 =	sld [smem:$0x3FFC];
	_ =	sdelay $0x3  }
0x96: {  	_ =	strace s5  }
0x97: {  	s5 =	sld [smem:$0x3FFD];
	_ =	sdelay $0x3  }
0x98: {  	_ =	strace s5  }
0x99: {  	_ =	strace $0x8FFFFFFF  }
0x9a: {  	s19 =	sld [smem:$0x3FDB];
	_ =	sdelay $0x1  }
0x9b: {  	s6 =	simm.s32 $_scs_section_size  }
0x9c: {  	s7 =	simm.s32 $_size__tile_overlayer_lowered;
	s8 =	simm.s32 $_tile_overlayer_lowered  }
0x9d: {  	s22 =	simm.s32 $0x1BFF;
	s21 =	sshll.u32 s8, $0x1;
	s5 =	sadd.s32 s6, s19  }
0x9e: {  	s9 =	simm.s32 $0x0;
	s20 =	sshll.u32 s7, $0x1;
	s7 =	sadd.s32 s21, s5  }
0x9f: {  	[timem:s9], [sflag:s22] =	dma.local [hbm:s7], s20  }
0xa0: {  	_ =	swait.ge [sflag:s22], s20  }
0xa1: {  	s6 =	ssub.s32 $0x0, s20;
	[sflag:s22] =	ssyncset.done $0x0  }
0xa2: {  	[sflag:s22] =	ssyncadd.s32 s6;
	_ =	sdelay $0x1  }
0xa3: {  	s23 =	simm.s32 $0x1B8B  }
0xa4: {  	_ =	swait.ge [sflag:s23], $0x1  }
0xa5: {  	[sflag:s23] =	ssyncset.done $0x0  }
0xa6: {  	s25 =	simm.s32 $0x1B8E;
	s24 =	sld [smem:$0x3FFE];
	[sflag:s23] =	ssyncadd.s32 $0xFFFFFFFF  }
0xa7: {  	s26 =	simm.s32 $execute0_lowered;
	[smem:$0x3FD2] =	sst s25  }
0xa8: {  	s7 =	sshll.u32 s26, $0x1;
	_ =	strace $0x80000046;
	[dreg:$0x1] =	wrdreg $0xFFFFFFFF  }
0xa9: {  	s28 =	simm.s32 $_size_execute0_lowered;
	s5 =	sadd.s32 s5, s7;
	[dreg:$0x0] =	wrdreg $0x0  }
0xaa: {  	s7 =	sshll.u32 s28, $0x1;
	[dreg:$0x2] =	wrdreg s5  }
0xab: {  	[dreg:$0x3] =	wrdreg s7  }
0xac: {  	[dreg:$0x4] =	wrdreg $0xC0  }
0xad: {  	_ =	task [dreg:s9], $0x5FFFF  }
0xae: {  	[dreg:$0x1] =	wrdreg $0xFFFFFFFF  }
0xaf: {  	[dreg:$0x0] =	wrdreg $0x60  }
0xb0: {  	[dreg:$0x2] =	wrdreg s2  }
0xb1: {  	[dreg:$0x3] =	wrdreg s18  }
0xb2: {  	[dreg:$0x4] =	wrdreg s24  }
0xb3: {  	[dreg:$0x5] =	wrdreg s4  }
0xb4: {  	[dreg:$0x6] =	wrdreg $0x142000  }
0xb5: {  	[dreg:$0x7] =	wrdreg $0x162000  }
0xb6: {  	[dreg:$0x8] =	wrdreg $0x9  }
0xb7: {  	_ =	task.clear_ibuf [dreg:s9], $0x9FFFF;
	_ =	strace $0x90000046  }
0xb8: {  	s29 =	simm.s32 $0x9;
	_ =	strace $0x80000048  }
0xb9: {  	_ =	swait.ge [sflag:s29], $0x1  }
0xba: {  	[sflag:s29] =	ssyncadd.s32 $0xFFFFFFFF  }
0xbb: {  	_ =	strace $0x90000048  }
0xbc: {  	_ =	sfence  }
0xbd: {  	s30 =	sld [smem:$0x0];
	_ =	sdelay $0x2  }
0xbe: {  	s31 =	sshll.u32 s1, $0xD;
	s1 =	sshrl.u32 s1, $0x2  }
0xbf: {  	s3 =	sand.u32 $0x4000, s31;
	s1 =	sadd.s32 s1, s30  }
0xc0: {  	s0 =	sor.u32 s3, s0;
	s1 =	sshll.u32 s1, $0x11  }
0xc1: {  	s0 =	sor.u32 s1, s0  }
0xc2: {  	s0 =	sadd.s32 $0x8F2B, s0  }
0xc3: {  	[sflag:s0] =	ssyncadd.remote.s32 $0x1  }
0xc4: {  	_ =	sfence.sel $0xFFFF  }
0xc5: {  	[dreg:$0x0] =	wrdreg $0xFFFFFFFF;
	(pc) =	sbr.abs _section_cstart, $3  }
0xc6: {  	[dreg:$0x1] =	wrdreg $0xFFFFFFFF  }
0xc7: {  	_ =	task.clear_ibuf [dreg:s9], $0x2FFFF;
	_ =	strace $0x9FFFFFFF  }
0xc8: {  	(tm) =	ssettm $0x7FFFFFFF  }
0xc9: {  	_ =	shalt  }
tec
execute0_lowered:
.L_overlay_start_1:
0x0: {  	(tag) =	ssettag $0x1  }
0x1: {  	s0 =	rddreg [dreg:$0x0]  }
0x2: {  	s1 =	rddreg [dreg:$0x1]  }
0x3: {  	s2 =	rddreg [dreg:$0x2]  }
0x4: {  	s3 =	rddreg [dreg:$0x3]  }
0x5: {  	s9 =	rddreg [dreg:$0x5]  }
0x6: {  	s30 =	rddreg [dreg:$0x6]  }
0x7: {  	s8 =	simm.s32 $0x0;
	s4 =	srdreg.scid;
	s31 =	stileid.u32  }
0x8: {  	s15 =	simm.s32 $0x8200;
	s13 =	simm.s32 $0xC200;
	s28 =	simm.s32 $0x7  }
0x9: {  	s11 =	simm.s32 $0x8;
	s16 =	simm.s32 $0x80;
	[dreg:$0x7] =	wrdreg s3  }
0xa: {  	p0 =	por $0x0, $0x0;
	s12 =	simm.s32 $0x1;
	s3 =	rddreg [dreg:$0x4]  }
0xb: {  	[smem:$0x7FF] =	sst s8;
	s4 =	sand.u32 $0x1, s4;
	s14 =	sadd.s32 $0xE00, s2  }
0xc: {  	s5 =	sshll.u32 s31, $0xD;
	s10 =	sshll.u32 s31, $0x9;
	_ =	strace $0x80000047  }
0xd: {  	s6 =	sshll.u32 s4, $0x11;
	s7 =	sshll.u32 s4, $0xD;
	s4 =	ssub.s32 $0x2, s4  }
0xe: {  	s22 =	sadd.s32 s5, s3;
	s25 =	sadd.s32 s5, s9;
	s6 =	sor.u32 s5, s6  }
0xf: {  	s7 =	sor.u32 s10, s7;
	s17 =	sshrl.u32 s4, $0x1;
	s10 =	simm.s32 $0x2  }
0x10: {  	s6 =	sshrl.u32 s6, $0x3;
	s18 =	sshrl.u32 s7, $0x3;
	s7 =	sshll.u32 s7, $0x4  }
0x11: {  	s20 =	ssub.s32 s4, s17;
	s17 =	simm.s32 $0x4200;
	s6 =	sadd.s32 s6, s2  }
0x12: {  	s1 =	sadd.s32 s1, s18;
	s2 =	sshll.u32 s31, $0x6;
	s23 =	sadd.s32 s0, s7  }
0x13: {  	s0 =	smax.u32 s20, $0x1;
	s7 =	sshrl.u32 s25, $0x3;
	s20 =	simm.s32 $0x200  }
0x14: {  	s25 =	simm.s32 $0x6;
	s18 =	simm.s32 $0x180;
	[dreg:$0x8] =	wrdreg s1  }
0x15: {  	s19 =	sor.u32 $0x1C07, s2;
	s21 =	sadd.s32 $0x800, s23;
	s24 =	sadd.s32 $0x1000, s23  }
0x16: {  	s26 =	sadd.s32 $0x1800, s23;
	s5 =	sadd.s32 $0x1200, s6;
	p1 =	sne.s32 s0, $0x1  }
.Ltmp0:
0x17: {  	s4 =	sadd.s32 $0x9200, s6;
	[dreg:$0x9] =	wrdreg s19;
	(pc) =	sbr.rel @!p1 .LBB2_5-.Ltmp0, $4  }
0x18: {  	s6 =	sshrl.u32 s22, $0x3;
	s29 =	sor.u32 $0x1C08, s2;
	[dreg:$0xa] =	wrdreg s21  }
0x19: {  	s0 =	sadd.s32 $0xFFFFFFFF, s0;
	s22 =	simm.s32 $0x4;
	[dreg:$0xb] =	wrdreg s24  }
0x1a: {  	[dreg:$0xc] =	wrdreg s26;
	s19 =	simm.s32 $0x10200;
	s26 =	simm.s32 $0x5  }
0x1b: {  	s21 =	simm.s32 $0x100;
	s24 =	simm.s32 $0x3;
	s1 =	rddreg [dreg:$0x8]  }
0x1c: {  	s30 =	rddreg [dreg:$0x9]  }
0x1d: {  	[tilespmem:s8], [sflag:$0x5] =	stream.linear.gather [hbm4b:s1+s8], $0x200, $0x38;
	[tilespmem:$0x18200] =	vst v63  }
0x1e: {  	s31 =	rddreg [dreg:$0x7]  }
0x1f: {  	[tilespmem:s19], [sflag:$0x6] =	stream.linear.gather [hbm4b:s31+s8], $0x4000, $0x38;
	[tilespmem:$0x18200] =	vst v63  }
0x20: {  	[spmem:s6], [sflag:s30] =	dma.local [hbm:s14], $0x400  }
0x21: {  	[spmem:s7], [sflag:s29] =	dma.local [hbm:s14], $0x400  }
0x22: {  	[tilespmem:s20], [sflag:$0x1] =	stream.linear.gather [hbm4b:s23+s8], $0x4000, $0x38;
	[tilespmem:$0x18200] =	vst v63  }
0x23: {  	s1 =	rddreg [dreg:$0xa]  }
0x24: {  	[tilespmem:s17], [sflag:$0x2] =	stream.linear.gather [hbm4b:s1+s8], $0x4000, $0x38;
	[tilespmem:$0x18200] =	vst v63  }
0x25: {  	s30 =	rddreg [dreg:$0xb]  }
0x26: {  	[tilespmem:s15], [sflag:$0x3] =	stream.linear.gather [hbm4b:s30+s8], $0x4000, $0x38;
	[tilespmem:$0x18200] =	vst v63  }
0x27: {  	s1 =	rddreg [dreg:$0xc]  }
0x28: {  	[tilespmem:s13], [sflag:$0x4] =	stream.linear.gather [hbm4b:s1+s8], $0x4000, $0x38;
	[tilespmem:$0x18200] =	vst v63  }
0x29: {  	_ =	swait.ge [sflag:s28], $0x400  }
0x2a: {  	[sflag:s28] =	ssyncset.done $0x0  }
0x2b: {  	[sflag:s28] =	ssyncadd.s32 $0xFFFFFC00  }
0x2c: {  	_ =	swait.ge [sflag:s11], $0x400  }
0x2d: {  	[sflag:s11] =	ssyncset.done $0x0  }
0x2e: {  	[sflag:s11] =	ssyncadd.s32 $0xFFFFFC00  }
0x2f: {  	[bflag:$0x0] =	sbarrier.arrive $0xFFFF  }
0x30: {  	_ =	swait.ge [sflag:s26], $0x200  }
0x31: {  	[sflag:s26] =	ssyncset.done $0x0  }
0x32: {  	[sflag:s26] =	ssyncadd.s32 $0xFFFFFE00  }
0x33: {  	_ =	swait.ge [sflag:s25], $0x4000  }
0x34: {  	[sflag:s25] =	ssyncset.done $0x0  }
0x35: {  	[sflag:s25] =	ssyncadd.s32 $0xFFFFC000  }
0x36: {  	[spmem:s9] =	stream.indirect.scatter.add.f32 [tilespmem:s19], [sflag:$0x8], $0x80, s8, s16, $0xb8;
	[tilespmem:$0x18200] =	vst v63  }
0x37: {  	_ = 	snop  }
0x38: {  	[spmem:s9] =	stream.indirect.scatter.add.f32 [tilespmem:s19], [sflag:$0x8], $0x80, s16, s16, $0xb8;
	[tilespmem:$0x18200] =	vst v63  }
0x39: {  	_ = 	snop  }
0x3a: {  	[spmem:s9] =	stream.indirect.scatter.add.f32 [tilespmem:s19], [sflag:$0x8], $0x80, s21, s16, $0xb8;
	[tilespmem:$0x18200] =	vst v63  }
0x3b: {  	_ = 	snop  }
0x3c: {  	[spmem:s9] =	stream.indirect.scatter.add.f32 [tilespmem:s19], [sflag:$0x8], $0x80, s18, s16, $0xb8;
	[tilespmem:$0x18200] =	vst v63  }
0x3d: {  	_ =	swait.ge [sflag:s12], $0x4000  }
0x3e: {  	[sflag:s12] =	ssyncset.done $0x0  }
0x3f: {  	[sflag:s12] =	ssyncadd.s32 $0xFFFFC000  }
0x40: {  	[spmem:s3] =	stream.indirect.scatter.add.f32 [tilespmem:s20], [sflag:$0x8], $0x80, s8, s16, $0xb8;
	[tilespmem:$0x18200] =	vst v63  }
0x41: {  	_ =	swait.ge [sflag:s10], $0x4000  }
0x42: {  	[sflag:s10] =	ssyncset.done $0x0  }
0x43: {  	[sflag:s10] =	ssyncadd.s32 $0xFFFFC000  }
0x44: {  	[spmem:s3] =	stream.indirect.scatter.add.f32 [tilespmem:s17], [sflag:$0x8], $0x80, s16, s16, $0xb8;
	[tilespmem:$0x18200] =	vst v63  }
0x45: {  	_ =	swait.ge [sflag:s24], $0x4000  }
0x46: {  	[sflag:s24] =	ssyncset.done $0x0  }
0x47: {  	[sflag:s24] =	ssyncadd.s32 $0xFFFFC000  }
0x48: {  	[spmem:s3] =	stream.indirect.scatter.add.f32 [tilespmem:s15], [sflag:$0x8], $0x80, s21, s16, $0xb8;
	[tilespmem:$0x18200] =	vst v63  }
0x49: {  	_ =	swait.ge [sflag:s22], $0x4000  }
0x4a: {  	[sflag:s22] =	ssyncset.done $0x0  }
0x4b: {  	[sflag:s22] =	ssyncadd.s32 $0xFFFFC000  }
0x4c: {  	[spmem:s3] =	stream.indirect.scatter.add.f32 [tilespmem:s13], [sflag:$0x8], $0x80, s18, s16, $0xb8;
	[tilespmem:$0x18200] =	vst v63  }
0x4d: {  	_ =	swait.ge [sflag:s11], $0x4000  }
0x4e: {  	[sflag:s11] =	ssyncset.done $0x0  }
0x4f: {  	[sflag:s11] =	ssyncadd.s32 $0xFFFFC000  }
0x50: {  	_ =	swait.ge [sflag:s11], $0x4000  }
0x51: {  	[sflag:s11] =	ssyncset.done $0x0  }
0x52: {  	[sflag:s11] =	ssyncadd.s32 $0xFFFFC000  }
0x53: {  	_ =	swait.ge [sflag:s11], $0x4000  }
0x54: {  	[sflag:s11] =	ssyncset.done $0x0  }
0x55: {  	[sflag:s11] =	ssyncadd.s32 $0xFFFFC000  }
0x56: {  	_ =	swait.ge [sflag:s11], $0x4000  }
0x57: {  	[sflag:s11] =	ssyncset.done $0x0  }
0x58: {  	[sflag:s11] =	ssyncadd.s32 $0xFFFFC000  }
0x59: {  	_ =	swait.ge [sflag:s11], $0x4000  }
0x5a: {  	[sflag:s11] =	ssyncset.done $0x0  }
0x5b: {  	[sflag:s11] =	ssyncadd.s32 $0xFFFFC000  }
0x5c: {  	_ =	swait.ge [sflag:s11], $0x4000  }
0x5d: {  	[sflag:s11] =	ssyncset.done $0x0  }
0x5e: {  	[sflag:s11] =	ssyncadd.s32 $0xFFFFC000  }
0x5f: {  	_ =	swait.ge [sflag:s11], $0x4000  }
0x60: {  	[sflag:s11] =	ssyncset.done $0x0  }
0x61: {  	[sflag:s11] =	ssyncadd.s32 $0xFFFFC000  }
0x62: {  	_ =	swait.ge [sflag:s11], $0x4000  }
0x63: {  	[sflag:s11] =	ssyncset.done $0x0  }
0x64: {  	[sflag:s11] =	ssyncadd.s32 $0xFFFFC000  }
0x65: {  	p1 =	sne.s32 s0, $0x1;
	[bflag:$0x0] =	sbarrier.arrive $0xFFFF  }
0x66: {  	s31 =	sor.u32 $0x1C02, s2;
	s30 =	sor.u32 $0x1C01, s2;
	[dreg:$0xd] =	wrdreg s2  }
0x67: {  	[hbm:s5], [sflag:s30] =	dma.local [spmem:s6], $0x400  }
0x68: {  	[hbm:s4], [sflag:s31] =	dma.local [spmem:s7], $0x400  }
.Ltmp1:
0x69: {  	_ =	swait.ge [sflag:s12], $0x400;
	(pc) =	sbr.rel @!p1 .LBB2_2-.Ltmp1, $4  }
0x6a: {  	[sflag:s12] =	ssyncset.done $0x0  }
0x6b: {  	[sflag:s12] =	ssyncadd.s32 $0xFFFFFC00  }
0x6c: {  	s0 =	sadd.s32 $0xFFFFFFFF, s0;
	_ =	swait.ge [sflag:s10], $0x400  }
0x6d: {  	p0 =	por $0x1, $0x1;
	s1 =	rddreg [dreg:$0x8];
	[sflag:s10] =	ssyncset.done $0x0  }
.LBB2_3:
0x6e: {  	s2 =	rddreg [dreg:$0x9];
	[sflag:s10] =	ssyncadd.s32 $0xFFFFFC00  }
0x6f: {  	[tilespmem:s8], [sflag:$0x5] =	stream.linear.gather [hbm4b:s1+s8], $0x200, $0x38;
	[tilespmem:$0x18200] =	vst v63  }
0x70: {  	s13 =	smov.u32 s5;
	s5 =	smov.u32 s4;
	s4 =	rddreg [dreg:$0x7]  }
0x71: {  	[tilespmem:s19], [sflag:$0x6] =	stream.linear.gather [hbm4b:s4+s8], $0x4000, $0x38;
	[tilespmem:$0x18200] =	vst v63  }
0x72: {  	[spmem:s6], [sflag:s2] =	dma.local [hbm:s14], $0x400  }
0x73: {  	[spmem:s7], [sflag:s29] =	dma.local [hbm:s14], $0x400  }
0x74: {  	[tilespmem:s20], [sflag:$0x1] =	stream.linear.gather [hbm4b:s23+s8], $0x4000, $0x38;
	[tilespmem:$0x18200] =	vst v63  }
0x75: {  	s1 =	rddreg [dreg:$0xa]  }
0x76: {  	[tilespmem:s17], [sflag:$0x2] =	stream.linear.gather [hbm4b:s1+s8], $0x4000, $0x38;
	[tilespmem:$0x18200] =	vst v63  }
0x77: {  	s4 =	smov.u32 s5;
	s2 =	rddreg [dreg:$0xb]  }
0x78: {  	[tilespmem:s15], [sflag:$0x3] =	stream.linear.gather [hbm4b:s2+s8], $0x4000, $0x38;
	[tilespmem:$0x18200] =	vst v63  }
0x79: {  	s5 =	smov.u32 s13;
	s13 =	simm.s32 $0xC200;
	s1 =	rddreg [dreg:$0xc]  }
0x7a: {  	[tilespmem:s13], [sflag:$0x4] =	stream.linear.gather [hbm4b:s1+s8], $0x4000, $0x38;
	[tilespmem:$0x18200] =	vst v63  }
0x7b: {  	_ =	swait.ge [sflag:s28], $0x400  }
0x7c: {  	[sflag:s28] =	ssyncset.done $0x0  }
0x7d: {  	[sflag:s28] =	ssyncadd.s32 $0xFFFFFC00  }
0x7e: {  	_ =	swait.ge [sflag:s11], $0x400  }
0x7f: {  	[sflag:s11] =	ssyncset.done $0x0  }
0x80: {  	[sflag:s11] =	ssyncadd.s32 $0xFFFFFC00  }
0x81: {  	[bflag:$0x0] =	sbarrier.arrive $0xFFFF  }
0x82: {  	_ =	swait.ge [sflag:s26], $0x200  }
0x83: {  	[sflag:s26] =	ssyncset.done $0x0  }
0x84: {  	[sflag:s26] =	ssyncadd.s32 $0xFFFFFE00  }
0x85: {  	_ =	swait.ge [sflag:s25], $0x4000  }
0x86: {  	[sflag:s25] =	ssyncset.done $0x0  }
0x87: {  	[sflag:s25] =	ssyncadd.s32 $0xFFFFC000  }
0x88: {  	[spmem:s9] =	stream.indirect.scatter.add.f32 [tilespmem:s19], [sflag:$0x8], $0x80, s8, s16, $0xb8;
	[tilespmem:$0x18200] =	vst v63  }
0x89: {  	_ = 	snop  }
0x8a: {  	[spmem:s9] =	stream.indirect.scatter.add.f32 [tilespmem:s19], [sflag:$0x8], $0x80, s16, s16, $0xb8;
	[tilespmem:$0x18200] =	vst v63  }
0x8b: {  	_ = 	snop  }
0x8c: {  	[spmem:s9] =	stream.indirect.scatter.add.f32 [tilespmem:s19], [sflag:$0x8], $0x80, s21, s16, $0xb8;
	[tilespmem:$0x18200] =	vst v63  }
0x8d: {  	_ = 	snop  }
0x8e: {  	[spmem:s9] =	stream.indirect.scatter.add.f32 [tilespmem:s19], [sflag:$0x8], $0x80, s18, s16, $0xb8;
	[tilespmem:$0x18200] =	vst v63  }
0x8f: {  	_ =	swait.ge [sflag:s12], $0x4000  }
0x90: {  	[sflag:s12] =	ssyncset.done $0x0  }
0x91: {  	[sflag:s12] =	ssyncadd.s32 $0xFFFFC000  }
0x92: {  	[spmem:s3] =	stream.indirect.scatter.add.f32 [tilespmem:s20], [sflag:$0x8], $0x80, s8, s16, $0xb8;
	[tilespmem:$0x18200] =	vst v63  }
0x93: {  	_ =	swait.ge [sflag:s10], $0x4000  }
0x94: {  	[sflag:s10] =	ssyncset.done $0x0  }
0x95: {  	[sflag:s10] =	ssyncadd.s32 $0xFFFFC000  }
0x96: {  	[spmem:s3] =	stream.indirect.scatter.add.f32 [tilespmem:s17], [sflag:$0x8], $0x80, s16, s16, $0xb8;
	[tilespmem:$0x18200] =	vst v63  }
0x97: {  	_ =	swait.ge [sflag:s24], $0x4000  }
0x98: {  	[sflag:s24] =	ssyncset.done $0x0  }
0x99: {  	[sflag:s24] =	ssyncadd.s32 $0xFFFFC000  }
0x9a: {  	[spmem:s3] =	stream.indirect.scatter.add.f32 [tilespmem:s15], [sflag:$0x8], $0x80, s21, s16, $0xb8;
	[tilespmem:$0x18200] =	vst v63  }
0x9b: {  	_ =	swait.ge [sflag:s22], $0x4000  }
0x9c: {  	[sflag:s22] =	ssyncset.done $0x0  }
0x9d: {  	[sflag:s22] =	ssyncadd.s32 $0xFFFFC000  }
0x9e: {  	[spmem:s3] =	stream.indirect.scatter.add.f32 [tilespmem:s13], [sflag:$0x8], $0x80, s18, s16, $0xb8;
	[tilespmem:$0x18200] =	vst v63  }
0x9f: {  	_ =	swait.ge [sflag:s11], $0x4000  }
0xa0: {  	[sflag:s11] =	ssyncset.done $0x0  }
0xa1: {  	[sflag:s11] =	ssyncadd.s32 $0xFFFFC000  }
0xa2: {  	_ =	swait.ge [sflag:s11], $0x4000  }
0xa3: {  	[sflag:s11] =	ssyncset.done $0x0  }
0xa4: {  	[sflag:s11] =	ssyncadd.s32 $0xFFFFC000  }
0xa5: {  	_ =	swait.ge [sflag:s11], $0x4000  }
0xa6: {  	[sflag:s11] =	ssyncset.done $0x0  }
0xa7: {  	[sflag:s11] =	ssyncadd.s32 $0xFFFFC000  }
0xa8: {  	_ =	swait.ge [sflag:s11], $0x4000  }
0xa9: {  	[sflag:s11] =	ssyncset.done $0x0  }
0xaa: {  	[sflag:s11] =	ssyncadd.s32 $0xFFFFC000  }
0xab: {  	_ =	swait.ge [sflag:s11], $0x4000  }
0xac: {  	[sflag:s11] =	ssyncset.done $0x0  }
0xad: {  	[sflag:s11] =	ssyncadd.s32 $0xFFFFC000  }
0xae: {  	_ =	swait.ge [sflag:s11], $0x4000  }
0xaf: {  	[sflag:s11] =	ssyncset.done $0x0  }
0xb0: {  	[sflag:s11] =	ssyncadd.s32 $0xFFFFC000  }
0xb1: {  	_ =	swait.ge [sflag:s11], $0x4000  }
0xb2: {  	[sflag:s11] =	ssyncset.done $0x0  }
0xb3: {  	[sflag:s11] =	ssyncadd.s32 $0xFFFFC000  }
0xb4: {  	_ =	swait.ge [sflag:s11], $0x4000  }
0xb5: {  	[sflag:s11] =	ssyncset.done $0x0  }
0xb6: {  	[sflag:s11] =	ssyncadd.s32 $0xFFFFC000  }
0xb7: {  	p1 =	sne.s32 s0, $0x1;
	[bflag:$0x0] =	sbarrier.arrive $0xFFFF  }
0xb8: {  	[hbm:s5], [sflag:s30] =	dma.local [spmem:s6], $0x400  }
0xb9: {  	[hbm:s4], [sflag:s31] =	dma.local [spmem:s7], $0x400  }
.Ltmp2:
0xba: {  	_ =	swait.ge [sflag:s12], $0x400;
	(pc) =	sbr.rel @p1 .LBB2_3-.Ltmp2, $4  }
0xbb: {  	[sflag:s12] =	ssyncset.done $0x0  }
0xbc: {  	[sflag:s12] =	ssyncadd.s32 $0xFFFFFC00  }
0xbd: {  	_ =	swait.ge [sflag:s10], $0x400  }
0xbe: {  	s0 =	sadd.s32 $0xFFFFFFFF, s0;
	s1 =	rddreg [dreg:$0x8];
	[sflag:s10] =	ssyncset.done $0x0  }
0xbf: {  	s30 =	rddreg [dreg:$0x6]  }
0xc0: {  	s31 =	stileid.u32;
	s2 =	rddreg [dreg:$0xd]  }
.LBB2_5:
0xc1: {  	[sflag:s10] =	ssyncadd.s32 @p0 $0xFFFFFC00;
	s0 =	rddreg [dreg:$0x7]  }
0xc2: {  	[tilespmem:s8], [sflag:$0x5] =	stream.linear.gather [hbm4b:s1+s8], $0x200, $0x38;
	[tilespmem:$0x18200] =	vst v63  }
0xc3: {  	s1 =	rddreg [dreg:$0x9]  }
0xc4: {  	[tilespmem:s19], [sflag:$0x6] =	stream.linear.gather [hbm4b:s0+s8], $0x4000, $0x38;
	[tilespmem:$0x18200] =	vst v63  }
0xc5: {  	[spmem:s6], [sflag:s1] =	dma.local [hbm:s14], $0x400  }
0xc6: {  	[spmem:s7], [sflag:s29] =	dma.local [hbm:s14], $0x400  }
0xc7: {  	[tilespmem:s20], [sflag:$0x1] =	stream.linear.gather [hbm4b:s23+s8], $0x4000, $0x38;
	[tilespmem:$0x18200] =	vst v63  }
0xc8: {  	s1 =	rddreg [dreg:$0xa]  }
0xc9: {  	[tilespmem:s17], [sflag:$0x2] =	stream.linear.gather [hbm4b:s1+s8], $0x4000, $0x38;
	[tilespmem:$0x18200] =	vst v63  }
0xca: {  	s14 =	rddreg [dreg:$0xb]  }
0xcb: {  	[tilespmem:s15], [sflag:$0x3] =	stream.linear.gather [hbm4b:s14+s8], $0x4000, $0x38;
	[tilespmem:$0x18200] =	vst v63  }
0xcc: {  	s23 =	rddreg [dreg:$0xc]  }
0xcd: {  	[tilespmem:s13], [sflag:$0x4] =	stream.linear.gather [hbm4b:s23+s8], $0x4000, $0x38;
	[tilespmem:$0x18200] =	vst v63  }
0xce: {  	_ =	swait.ge [sflag:s28], $0x400  }
0xcf: {  	[sflag:s28] =	ssyncset.done $0x0  }
0xd0: {  	[sflag:s28] =	ssyncadd.s32 $0xFFFFFC00  }
0xd1: {  	_ =	swait.ge [sflag:s11], $0x400  }
0xd2: {  	[sflag:s11] =	ssyncset.done $0x0  }
0xd3: {  	[sflag:s11] =	ssyncadd.s32 $0xFFFFFC00  }
0xd4: {  	[bflag:$0x0] =	sbarrier.arrive $0xFFFF  }
0xd5: {  	_ =	swait.ge [sflag:s26], $0x200  }
0xd6: {  	[sflag:s26] =	ssyncset.done $0x0  }
0xd7: {  	[sflag:s26] =	ssyncadd.s32 $0xFFFFFE00  }
0xd8: {  	_ =	swait.ge [sflag:s25], $0x4000  }
0xd9: {  	[sflag:s25] =	ssyncset.done $0x0  }
0xda: {  	[sflag:s25] =	ssyncadd.s32 $0xFFFFC000  }
0xdb: {  	[spmem:s9] =	stream.indirect.scatter.add.f32 [tilespmem:s19], [sflag:$0x8], $0x80, s8, s16, $0xb8;
	[tilespmem:$0x18200] =	vst v63  }
0xdc: {  	_ = 	snop  }
0xdd: {  	[spmem:s9] =	stream.indirect.scatter.add.f32 [tilespmem:s19], [sflag:$0x8], $0x80, s16, s16, $0xb8;
	[tilespmem:$0x18200] =	vst v63  }
0xde: {  	_ = 	snop  }
0xdf: {  	[spmem:s9] =	stream.indirect.scatter.add.f32 [tilespmem:s19], [sflag:$0x8], $0x80, s21, s16, $0xb8;
	[tilespmem:$0x18200] =	vst v63  }
0xe0: {  	_ = 	snop  }
0xe1: {  	[spmem:s9] =	stream.indirect.scatter.add.f32 [tilespmem:s19], [sflag:$0x8], $0x80, s18, s16, $0xb8;
	[tilespmem:$0x18200] =	vst v63  }
0xe2: {  	_ =	swait.ge [sflag:s12], $0x4000  }
0xe3: {  	[sflag:s12] =	ssyncset.done $0x0  }
0xe4: {  	[sflag:s12] =	ssyncadd.s32 $0xFFFFC000  }
0xe5: {  	[spmem:s3] =	stream.indirect.scatter.add.f32 [tilespmem:s20], [sflag:$0x8], $0x80, s8, s16, $0xb8;
	[tilespmem:$0x18200] =	vst v63  }
0xe6: {  	_ =	swait.ge [sflag:s10], $0x4000  }
0xe7: {  	[sflag:s10] =	ssyncset.done $0x0  }
0xe8: {  	[sflag:s10] =	ssyncadd.s32 $0xFFFFC000  }
0xe9: {  	[spmem:s3] =	stream.indirect.scatter.add.f32 [tilespmem:s17], [sflag:$0x8], $0x80, s16, s16, $0xb8;
	[tilespmem:$0x18200] =	vst v63  }
0xea: {  	_ =	swait.ge [sflag:s24], $0x4000  }
0xeb: {  	[sflag:s24] =	ssyncset.done $0x0  }
0xec: {  	[sflag:s24] =	ssyncadd.s32 $0xFFFFC000  }
0xed: {  	[spmem:s3] =	stream.indirect.scatter.add.f32 [tilespmem:s15], [sflag:$0x8], $0x80, s21, s16, $0xb8;
	[tilespmem:$0x18200] =	vst v63  }
0xee: {  	_ =	swait.ge [sflag:s22], $0x4000  }
0xef: {  	[sflag:s22] =	ssyncset.done $0x0  }
0xf0: {  	[sflag:s22] =	ssyncadd.s32 $0xFFFFC000  }
0xf1: {  	[spmem:s3] =	stream.indirect.scatter.add.f32 [tilespmem:s13], [sflag:$0x8], $0x80, s18, s16, $0xb8;
	[tilespmem:$0x18200] =	vst v63  }
0xf2: {  	_ =	swait.ge [sflag:s11], $0x4000  }
0xf3: {  	[sflag:s11] =	ssyncset.done $0x0  }
0xf4: {  	[sflag:s11] =	ssyncadd.s32 $0xFFFFC000  }
0xf5: {  	_ =	swait.ge [sflag:s11], $0x4000  }
0xf6: {  	[sflag:s11] =	ssyncset.done $0x0  }
0xf7: {  	[sflag:s11] =	ssyncadd.s32 $0xFFFFC000  }
0xf8: {  	_ =	swait.ge [sflag:s11], $0x4000  }
0xf9: {  	[sflag:s11] =	ssyncset.done $0x0  }
0xfa: {  	[sflag:s11] =	ssyncadd.s32 $0xFFFFC000  }
0xfb: {  	_ =	swait.ge [sflag:s11], $0x4000  }
0xfc: {  	[sflag:s11] =	ssyncset.done $0x0  }
0xfd: {  	[sflag:s11] =	ssyncadd.s32 $0xFFFFC000  }
0xfe: {  	_ =	swait.ge [sflag:s11], $0x4000  }
0xff: {  	[sflag:s11] =	ssyncset.done $0x0  }
0x100: {  	[sflag:s11] =	ssyncadd.s32 $0xFFFFC000  }
0x101: {  	_ =	swait.ge [sflag:s11], $0x4000  }
0x102: {  	[sflag:s11] =	ssyncset.done $0x0  }
0x103: {  	[sflag:s11] =	ssyncadd.s32 $0xFFFFC000  }
0x104: {  	_ =	swait.ge [sflag:s11], $0x4000  }
0x105: {  	[sflag:s11] =	ssyncset.done $0x0  }
0x106: {  	[sflag:s11] =	ssyncadd.s32 $0xFFFFC000  }
0x107: {  	_ =	swait.ge [sflag:s11], $0x4000  }
0x108: {  	[sflag:s11] =	ssyncset.done $0x0  }
0x109: {  	[sflag:s11] =	ssyncadd.s32 $0xFFFFC000  }
0x10a: {  	s29 =	sor.u32 $0x1C02, s2;
	s28 =	sor.u32 $0x1C01, s2;
	[bflag:$0x0] =	sbarrier.arrive $0xFFFF  }
0x10b: {  	[hbm:s5], [sflag:s28] =	dma.local [spmem:s6], $0x400  }
0x10c: {  	[hbm:s4], [sflag:s29] =	dma.local [spmem:s7], $0x400  }
0x10d: {  	_ =	swait.ge [sflag:s12], $0x400  }
0x10e: {  	[sflag:s12] =	ssyncset.done $0x0  }
0x10f: {  	[sflag:s12] =	ssyncadd.s32 $0xFFFFFC00  }
0x110: {  	_ =	swait.ge [sflag:s10], $0x400  }
0x111: {  	[sflag:s10] =	ssyncset.done $0x0  }
0x112: {  	[sflag:s10] =	ssyncadd.s32 $0xFFFFFC00  }
0x113: {  	_ =	sfence.sel $0x180000  }
0x114: {  	[bflag:$0x0] =	sbarrier.arrive $0xFFFF  }
0x115: {  	p0 =	sne.s32 s31, $0x0;
	_ =	strace $0x90000047  }
0x116: {  	s0 =	sadd.s32 @!p0 $0x100000, s30;
	[bflag:$0x2] =	sbarrier.arrive $0xFFFF  }
0x117: {  	[sflag:s0] =	ssyncadd.tile.s32 @!p0 $0x1;
	_ =	shalt  }
.LBB2_2:
.Ltmp3:
0x118: {  	(pc) =	sbr.rel .LBB2_5-.Ltmp3, $3  }
0x119: {  	_ =	sdelay $0x1  }
0x11a: {  	s30 =	rddreg [dreg:$0x6]  }
0x11b: {  	s31 =	stileid.u32;
	s2 =	rddreg [dreg:$0xd]  }
.Lfunc_end2:
_tile_overlayer_lowered:
.L_overlay_start_2:
0x11c: {  	(tag) =	ssettag $0x2  }
0x11d: {  	s0 =	rddreg [dreg:$0x0];
	s2 =	stileid.u32  }
0x11e: {  	s1 =	rddreg [dreg:$0x1];
	p0 =	sne.s32 s2, $0x0  }
0x11f: {  	s3 =	rddreg [dreg:$0x2];
	[bflag:$0x3] =	sbarrier.arrive $0xFFFF;
	s2 =	simm.s32 @!p0 $0x1C09  }
0x120: {  	[timem:s3], [sflag:s2] =	dma.local @!p0 [hbm:s0], s1  }
0x121: {  	s0 =	simm.s32 @!p0 $0x9  }
0x122: {  	_ =	swait.ge @!p0 [sflag:s0], s1  }
0x123: {  	s1 =	ssub.s32 @!p0 $0x0, s1;
	[sflag:s0] =	ssyncset.done @!p0 $0x0  }
0x124: {  	[sflag:s0] =	ssyncadd.s32 @!p0 s1  }
0x125: {  	[bflag:$0x3] =	sbarrier.arrive $0xFFFF  }
0x126: {  	_ =	shalt  }

</sc_bundles>
